<compile_context>
chip_gen: v7x
topology: tpu7x:2x2x1
jax: 0.10.2.dev20260603
libtpu: 0.0.44.dev20260713+nightly
codegen_flags: <defaults>
</compile_context>

<pallas_src>
import functools

import jax
import jax.numpy as jnp
from jax import lax
from jax.experimental import pallas as pl
from jax.experimental.pallas import tpu as pltpu
from jax.experimental.pallas import tpu_sc as plsc

_ROWS = 16384
_S = 50
_D = 32
_B = _ROWS * _S
_NC, _NS = 2, 16
_NW = _NC * _NS
_BPW = _B // _NW
_IR = _BPW // 128
_K = 10
_C = _K * 128
_G = _BPW // _C
_PAIRS = _G // 2

_mesh = plsc.VectorSubcoreMesh(core_axis_name="c", subcore_axis_name="s")


@functools.partial(
    pl.kernel,
    mesh=_mesh,
    compiler_params=pltpu.CompilerParams(use_tc_tiling_on_sc=False),
    out_type=jax.ShapeDtypeStruct((_B // 128, 128, _D), jnp.float32),
    scratch_types=[
        pltpu.VMEM((_IR, 128), jnp.int32),
        pltpu.VMEM((_K, 128, _D), jnp.float32),
        pltpu.VMEM((_K, 128, _D), jnp.float32),
        pltpu.SemaphoreType.DMA,
        pltpu.SemaphoreType.DMA,
        pltpu.SemaphoreType.DMA,
        pltpu.SemaphoreType.DMA,
    ],
)
def _embed_lookup(x_hbm, table_hbm, out_hbm, flat_v, rows0, rows1,
                  g0, g1, s0, s1):
    wid = lax.axis_index("s") * _NC + lax.axis_index("c")
    base = wid * _IR

    pltpu.sync_copy(x_hbm.at[pl.ds(base, _IR)], flat_v)

    def gather_k(rows, sem, chunk, k):
        return pltpu.make_async_copy(
            table_hbm.at[flat_v.at[chunk * _K + k]],
            rows.at[k],
            sem,
        )

    class _Chunk:
        def __init__(self, rows, sem, chunk):
            self.rows, self.sem, self.chunk = rows, sem, chunk

        def start(self):
            for k in range(_K):
                gather_k(self.rows, self.sem, self.chunk, k).start()

        def wait(self):
            for k in range(_K):
                gather_k(self.rows, self.sem, self.chunk, k).wait()

    def gather(rows, sem, chunk):
        return _Chunk(rows, sem, chunk)

    def store(rows, sem, chunk):
        return pltpu.make_async_copy(
            rows,
            out_hbm.at[pl.ds(base + chunk * _K, _K)],
            sem,
        )

    gather(rows0, g0, 0).start()

    def body(t, carry):
        a = 2 * t
        b = 2 * t + 1

        @pl.when(t > 0)
        def _():
            store(rows1, s1, b - 2).wait()
        gather(rows1, g1, b).start()

        gather(rows0, g0, a).wait()
        store(rows0, s0, a).start()

        @pl.when(t < _PAIRS - 1)
        def _():
            store(rows0, s0, a).wait()
            gather(rows0, g0, a + 2).start()

        gather(rows1, g1, b).wait()
        store(rows1, s1, b).start()
        return carry

    lax.fori_loop(0, _PAIRS, body, None)
    store(rows0, s0, _G - 2).wait()
    store(rows1, s1, _G - 1).wait()


def kernel(x, table):
    x_flat = x.T.reshape(_B // 128, 128)
    out3 = _embed_lookup(x_flat, table)
    return out3.reshape(_S, _ROWS, _D).transpose(1, 0, 2)

# --- scband reference (transcript-rebuilt; emitter-appended) ---
"""Pipeline reference for scband-token-embedding-86277303042192 (READ-ONLY COPY).

The authoritative reference and input builder live on the scoring server;
editing this copy changes nothing except your own understanding.
"""

import jax, jax.numpy as jnp
import numpy as np

VOCAB_SIZE = 1000000
EMBED_SIZE = 32

def setup_inputs(seed: int = 0) -> dict:
    key = jax.random.key(seed)
    k1, k2 = jax.random.split(key)
    x = jax.random.randint(k1, (16384, 50), 0, VOCAB_SIZE, dtype=jnp.int64 if jax.config.jax_enable_x64 else jnp.int32)
    table = jax.random.normal(k2, (VOCAB_SIZE, EMBED_SIZE), dtype=jnp.float32)
    return {"x": x, "table": table}

def reference(x, table):
    # nn.Embedding lookup: gather rows of the embedding table by token index
    embedded_tokens = jnp.take(table, x, axis=0)
    return embedded_tokens

if __name__ == "__main__":
    import jax
    _d = setup_inputs()
    print(jax.jit(kernel)(*tuple(_d.values())))

</pallas_src>

<mosaic_0001>
#map = affine_map<(d0, d1) -> (0, 0)>
#map1 = affine_map<(d0, d1) -> (0, 0, 0)>
module attributes {stable_mosaic.version = 14 : i64} {
  func.func @_embed_lookup(%arg0: i32, %arg1: i32, %arg2: memref<6400x128xi32, #tpu.memory_space<hbm>>, %arg3: memref<1000000x32xf32, #tpu.memory_space<hbm>>, %arg4: memref<6400x128x32xf32, #tpu.memory_space<hbm>>, %arg5: memref<200x128xi32, #tpu.memory_space<vmem>>, %arg6: memref<10x128x32xf32, #tpu.memory_space<vmem>>, %arg7: memref<10x128x32xf32, #tpu.memory_space<vmem>>, %arg8: memref<!tpu.dma_semaphore, #tpu.memory_space<semaphore_mem>>, %arg9: memref<!tpu.dma_semaphore, #tpu.memory_space<semaphore_mem>>, %arg10: memref<!tpu.dma_semaphore, #tpu.memory_space<semaphore_mem>>, %arg11: memref<!tpu.dma_semaphore, #tpu.memory_space<semaphore_mem>>) attributes {dimension_semantics = [#tpu.dimension_semantics<core_parallel>, #tpu.dimension_semantics<subcore_parallel>], iteration_bounds = array<i64: 2, 16>, scalar_prefetch = 0 : i64, scratch_operands = 7 : i64, tpu.core_type = #tpu.core_type<sc_vector_subcore>, window_params = [{transform_indices = #map}, {transform_indices = #map}, {transform_indices = #map1}]} {
    %mul3A = arith.constant 2 : i32
    %mul3A_0 = arith.muli %arg1, %mul3A : i32
    %add3A = arith.addi %mul3A_0, %arg0 : i32
    %mul3A_1 = arith.constant 200 : i32
    %mul3A_2 = arith.muli %add3A, %mul3A_1 : i32
    "tpu.region"() ({
      %run_scoped3A = tpu.sem_alloc : memref<!tpu.dma_semaphore, #tpu.memory_space<semaphore_mem>>
      %dma_start3A_141 = arith.constant 0 : i32
      %dma_start3A_142 = tpu.memref_slice %arg2[%mul3A_2, %dma_start3A_141] : memref<6400x128xi32, #tpu.memory_space<hbm>> -> memref<200x128xi32, #tpu.memory_space<hbm>>
      %dma_start3A_143 = arith.constant 0 : i32
      %dma_start3A_144 = tpu.memref_slice %arg2[%mul3A_2, %dma_start3A_143] : memref<6400x128xi32, #tpu.memory_space<hbm>> -> memref<200x128xi32, #tpu.memory_space<hbm>>
      tpu.enqueue_dma source(%dma_start3A_144 : memref<200x128xi32, #tpu.memory_space<hbm>>) target(%arg5 : memref<200x128xi32, #tpu.memory_space<vmem>>) target_semaphore(%run_scoped3A : memref<!tpu.dma_semaphore, #tpu.memory_space<semaphore_mem>>)
      %dma_wait3A_145 = arith.constant 0 : i32
      %dma_wait3A_146 = tpu.memref_slice %arg2[%mul3A_2, %dma_wait3A_145] : memref<6400x128xi32, #tpu.memory_space<hbm>> -> memref<200x128xi32, #tpu.memory_space<hbm>>
      %dma_wait3A_147 = arith.constant 0 : i32
      %dma_wait3A_148 = tpu.memref_slice %arg2[%mul3A_2, %dma_wait3A_147] : memref<6400x128xi32, #tpu.memory_space<hbm>> -> memref<200x128xi32, #tpu.memory_space<hbm>>
      tpu.wait_dma2 semaphore(%run_scoped3A : memref<!tpu.dma_semaphore, #tpu.memory_space<semaphore_mem>>) src(%dma_wait3A_148 : memref<200x128xi32, #tpu.memory_space<hbm>>) dst(%arg5 : memref<200x128xi32, #tpu.memory_space<vmem>>)
      tpu.yield
    }) : () -> ()
    %dma_start3A = arith.constant 0 : i32
    %dma_start3A_3 = arith.constant 0 : i32
    %dma_start3A_4 = arith.constant 0 : i32
    %dma_start3A_5 = arith.constant 0 : i32
    %dma_start3A_6 = tpu.memref_slice %arg6[%dma_start3A_3, %dma_start3A_4, %dma_start3A_5] : memref<10x128x32xf32, #tpu.memory_space<vmem>> -> memref<1x128x32xf32, #tpu.memory_space<vmem>>
    %dma_start3A_7 = tpu.memref_squeeze %dma_start3A_6 : memref<1x128x32xf32, #tpu.memory_space<vmem>> -> memref<128x32xf32, #tpu.memory_space<vmem>>
    %dma_start3A_8 = arith.constant 0 : i32
    %dma_start3A_9 = tpu.memref_slice %arg5[%dma_start3A, %dma_start3A_8] : memref<200x128xi32, #tpu.memory_space<vmem>> -> memref<1x128xi32, #tpu.memory_space<vmem>>
    %dma_start3A_10 = tpu.memref_squeeze %dma_start3A_9 : memref<1x128xi32, #tpu.memory_space<vmem>> -> memref<128xi32, #tpu.memory_space<vmem>>
    %dma_start3A_11 = arith.constant 0 : i32
    %dma_start3A_12 = arith.constant 0 : i32
    %dma_start3A_13 = tpu.memref_slice %arg3[%dma_start3A_11, %dma_start3A_12] : memref<1000000x32xf32, #tpu.memory_space<hbm>> -> memref<1000000x32xf32, #tpu.memory_space<hbm>>
    tpu.enqueue_indirect_dma source(%dma_start3A_13 : memref<1000000x32xf32, #tpu.memory_space<hbm>>) target(%dma_start3A_7 : memref<128x32xf32, #tpu.memory_space<vmem>>) offsets(%dma_start3A_10 : memref<128xi32, #tpu.memory_space<vmem>>) semaphore(%arg8 : memref<!tpu.dma_semaphore, #tpu.memory_space<semaphore_mem>>)
    %dma_start3A_14 = arith.constant 1 : i32
    %dma_start3A_15 = arith.constant 1 : i32
    %dma_start3A_16 = arith.constant 0 : i32
    %dma_start3A_17 = arith.constant 0 : i32
    %dma_start3A_18 = tpu.memref_slice %arg6[%dma_start3A_15, %dma_start3A_16, %dma_start3A_17] : memref<10x128x32xf32, #tpu.memory_space<vmem>> -> memref<1x128x32xf32, #tpu.memory_space<vmem>>
    %dma_start3A_19 = tpu.memref_squeeze %dma_start3A_18 : memref<1x128x32xf32, #tpu.memory_space<vmem>> -> memref<128x32xf32, #tpu.memory_space<vmem>>
    %dma_start3A_20 = arith.constant 0 : i32
    %dma_start3A_21 = tpu.memref_slice %arg5[%dma_start3A_14, %dma_start3A_20] : memref<200x128xi32, #tpu.memory_space<vmem>> -> memref<1x128xi32, #tpu.memory_space<vmem>>
    %dma_start3A_22 = tpu.memref_squeeze %dma_start3A_21 : memref<1x128xi32, #tpu.memory_space<vmem>> -> memref<128xi32, #tpu.memory_space<vmem>>
    %dma_start3A_23 = arith.constant 0 : i32
    %dma_start3A_24 = arith.constant 0 : i32
    %dma_start3A_25 = tpu.memref_slice %arg3[%dma_start3A_23, %dma_start3A_24] : memref<1000000x32xf32, #tpu.memory_space<hbm>> -> memref<1000000x32xf32, #tpu.memory_space<hbm>>
    tpu.enqueue_indirect_dma source(%dma_start3A_25 : memref<1000000x32xf32, #tpu.memory_space<hbm>>) target(%dma_start3A_19 : memref<128x32xf32, #tpu.memory_space<vmem>>) offsets(%dma_start3A_22 : memref<128xi32, #tpu.memory_space<vmem>>) semaphore(%arg8 : memref<!tpu.dma_semaphore, #tpu.memory_space<semaphore_mem>>)
    %dma_start3A_26 = arith.constant 2 : i32
    %dma_start3A_27 = arith.constant 2 : i32
    %dma_start3A_28 = arith.constant 0 : i32
    %dma_start3A_29 = arith.constant 0 : i32
    %dma_start3A_30 = tpu.memref_slice %arg6[%dma_start3A_27, %dma_start3A_28, %dma_start3A_29] : memref<10x128x32xf32, #tpu.memory_space<vmem>> -> memref<1x128x32xf32, #tpu.memory_space<vmem>>
    %dma_start3A_31 = tpu.memref_squeeze %dma_start3A_30 : memref<1x128x32xf32, #tpu.memory_space<vmem>> -> memref<128x32xf32, #tpu.memory_space<vmem>>
    %dma_start3A_32 = arith.constant 0 : i32
    %dma_start3A_33 = tpu.memref_slice %arg5[%dma_start3A_26, %dma_start3A_32] : memref<200x128xi32, #tpu.memory_space<vmem>> -> memref<1x128xi32, #tpu.memory_space<vmem>>
    %dma_start3A_34 = tpu.memref_squeeze %dma_start3A_33 : memref<1x128xi32, #tpu.memory_space<vmem>> -> memref<128xi32, #tpu.memory_space<vmem>>
    %dma_start3A_35 = arith.constant 0 : i32
    %dma_start3A_36 = arith.constant 0 : i32
    %dma_start3A_37 = tpu.memref_slice %arg3[%dma_start3A_35, %dma_start3A_36] : memref<1000000x32xf32, #tpu.memory_space<hbm>> -> memref<1000000x32xf32, #tpu.memory_space<hbm>>
    tpu.enqueue_indirect_dma source(%dma_start3A_37 : memref<1000000x32xf32, #tpu.memory_space<hbm>>) target(%dma_start3A_31 : memref<128x32xf32, #tpu.memory_space<vmem>>) offsets(%dma_start3A_34 : memref<128xi32, #tpu.memory_space<vmem>>) semaphore(%arg8 : memref<!tpu.dma_semaphore, #tpu.memory_space<semaphore_mem>>)
    %dma_start3A_38 = arith.constant 3 : i32
    %dma_start3A_39 = arith.constant 3 : i32
    %dma_start3A_40 = arith.constant 0 : i32
    %dma_start3A_41 = arith.constant 0 : i32
    %dma_start3A_42 = tpu.memref_slice %arg6[%dma_start3A_39, %dma_start3A_40, %dma_start3A_41] : memref<10x128x32xf32, #tpu.memory_space<vmem>> -> memref<1x128x32xf32, #tpu.memory_space<vmem>>
    %dma_start3A_43 = tpu.memref_squeeze %dma_start3A_42 : memref<1x128x32xf32, #tpu.memory_space<vmem>> -> memref<128x32xf32, #tpu.memory_space<vmem>>
    %dma_start3A_44 = arith.constant 0 : i32
    %dma_start3A_45 = tpu.memref_slice %arg5[%dma_start3A_38, %dma_start3A_44] : memref<200x128xi32, #tpu.memory_space<vmem>> -> memref<1x128xi32, #tpu.memory_space<vmem>>
    %dma_start3A_46 = tpu.memref_squeeze %dma_start3A_45 : memref<1x128xi32, #tpu.memory_space<vmem>> -> memref<128xi32, #tpu.memory_space<vmem>>
    %dma_start3A_47 = arith.constant 0 : i32
    %dma_start3A_48 = arith.constant 0 : i32
    %dma_start3A_49 = tpu.memref_slice %arg3[%dma_start3A_47, %dma_start3A_48] : memref<1000000x32xf32, #tpu.memory_space<hbm>> -> memref<1000000x32xf32, #tpu.memory_space<hbm>>
    tpu.enqueue_indirect_dma source(%dma_start3A_49 : memref<1000000x32xf32, #tpu.memory_space<hbm>>) target(%dma_start3A_43 : memref<128x32xf32, #tpu.memory_space<vmem>>) offsets(%dma_start3A_46 : memref<128xi32, #tpu.memory_space<vmem>>) semaphore(%arg8 : memref<!tpu.dma_semaphore, #tpu.memory_space<semaphore_mem>>)
    %dma_start3A_50 = arith.constant 4 : i32
    %dma_start3A_51 = arith.constant 4 : i32
    %dma_start3A_52 = arith.constant 0 : i32
    %dma_start3A_53 = arith.constant 0 : i32
    %dma_start3A_54 = tpu.memref_slice %arg6[%dma_start3A_51, %dma_start3A_52, %dma_start3A_53] : memref<10x128x32xf32, #tpu.memory_space<vmem>> -> memref<1x128x32xf32, #tpu.memory_space<vmem>>
    %dma_start3A_55 = tpu.memref_squeeze %dma_start3A_54 : memref<1x128x32xf32, #tpu.memory_space<vmem>> -> memref<128x32xf32, #tpu.memory_space<vmem>>
    %dma_start3A_56 = arith.constant 0 : i32
    %dma_start3A_57 = tpu.memref_slice %arg5[%dma_start3A_50, %dma_start3A_56] : memref<200x128xi32, #tpu.memory_space<vmem>> -> memref<1x128xi32, #tpu.memory_space<vmem>>
    %dma_start3A_58 = tpu.memref_squeeze %dma_start3A_57 : memref<1x128xi32, #tpu.memory_space<vmem>> -> memref<128xi32, #tpu.memory_space<vmem>>
    %dma_start3A_59 = arith.constant 0 : i32
    %dma_start3A_60 = arith.constant 0 : i32
    %dma_start3A_61 = tpu.memref_slice %arg3[%dma_start3A_59, %dma_start3A_60] : memref<1000000x32xf32, #tpu.memory_space<hbm>> -> memref<1000000x32xf32, #tpu.memory_space<hbm>>
    tpu.enqueue_indirect_dma source(%dma_start3A_61 : memref<1000000x32xf32, #tpu.memory_space<hbm>>) target(%dma_start3A_55 : memref<128x32xf32, #tpu.memory_space<vmem>>) offsets(%dma_start3A_58 : memref<128xi32, #tpu.memory_space<vmem>>) semaphore(%arg8 : memref<!tpu.dma_semaphore, #tpu.memory_space<semaphore_mem>>)
    %dma_start3A_62 = arith.constant 5 : i32
    %dma_start3A_63 = arith.constant 5 : i32
    %dma_start3A_64 = arith.constant 0 : i32
    %dma_start3A_65 = arith.constant 0 : i32
    %dma_start3A_66 = tpu.memref_slice %arg6[%dma_start3A_63, %dma_start3A_64, %dma_start3A_65] : memref<10x128x32xf32, #tpu.memory_space<vmem>> -> memref<1x128x32xf32, #tpu.memory_space<vmem>>
    %dma_start3A_67 = tpu.memref_squeeze %dma_start3A_66 : memref<1x128x32xf32, #tpu.memory_space<vmem>> -> memref<128x32xf32, #tpu.memory_space<vmem>>
    %dma_start3A_68 = arith.constant 0 : i32
    %dma_start3A_69 = tpu.memref_slice %arg5[%dma_start3A_62, %dma_start3A_68] : memref<200x128xi32, #tpu.memory_space<vmem>> -> memref<1x128xi32, #tpu.memory_space<vmem>>
    %dma_start3A_70 = tpu.memref_squeeze %dma_start3A_69 : memref<1x128xi32, #tpu.memory_space<vmem>> -> memref<128xi32, #tpu.memory_space<vmem>>
    %dma_start3A_71 = arith.constant 0 : i32
    %dma_start3A_72 = arith.constant 0 : i32
    %dma_start3A_73 = tpu.memref_slice %arg3[%dma_start3A_71, %dma_start3A_72] : memref<1000000x32xf32, #tpu.memory_space<hbm>> -> memref<1000000x32xf32, #tpu.memory_space<hbm>>
    tpu.enqueue_indirect_dma source(%dma_start3A_73 : memref<1000000x32xf32, #tpu.memory_space<hbm>>) target(%dma_start3A_67 : memref<128x32xf32, #tpu.memory_space<vmem>>) offsets(%dma_start3A_70 : memref<128xi32, #tpu.memory_space<vmem>>) semaphore(%arg8 : memref<!tpu.dma_semaphore, #tpu.memory_space<semaphore_mem>>)
    %dma_start3A_74 = arith.constant 6 : i32
    %dma_start3A_75 = arith.constant 6 : i32
    %dma_start3A_76 = arith.constant 0 : i32
    %dma_start3A_77 = arith.constant 0 : i32
    %dma_start3A_78 = tpu.memref_slice %arg6[%dma_start3A_75, %dma_start3A_76, %dma_start3A_77] : memref<10x128x32xf32, #tpu.memory_space<vmem>> -> memref<1x128x32xf32, #tpu.memory_space<vmem>>
    %dma_start3A_79 = tpu.memref_squeeze %dma_start3A_78 : memref<1x128x32xf32, #tpu.memory_space<vmem>> -> memref<128x32xf32, #tpu.memory_space<vmem>>
    %dma_start3A_80 = arith.constant 0 : i32
    %dma_start3A_81 = tpu.memref_slice %arg5[%dma_start3A_74, %dma_start3A_80] : memref<200x128xi32, #tpu.memory_space<vmem>> -> memref<1x128xi32, #tpu.memory_space<vmem>>
    %dma_start3A_82 = tpu.memref_squeeze %dma_start3A_81 : memref<1x128xi32, #tpu.memory_space<vmem>> -> memref<128xi32, #tpu.memory_space<vmem>>
    %dma_start3A_83 = arith.constant 0 : i32
    %dma_start3A_84 = arith.constant 0 : i32
    %dma_start3A_85 = tpu.memref_slice %arg3[%dma_start3A_83, %dma_start3A_84] : memref<1000000x32xf32, #tpu.memory_space<hbm>> -> memref<1000000x32xf32, #tpu.memory_space<hbm>>
    tpu.enqueue_indirect_dma source(%dma_start3A_85 : memref<1000000x32xf32, #tpu.memory_space<hbm>>) target(%dma_start3A_79 : memref<128x32xf32, #tpu.memory_space<vmem>>) offsets(%dma_start3A_82 : memref<128xi32, #tpu.memory_space<vmem>>) semaphore(%arg8 : memref<!tpu.dma_semaphore, #tpu.memory_space<semaphore_mem>>)
    %dma_start3A_86 = arith.constant 7 : i32
    %dma_start3A_87 = arith.constant 7 : i32
    %dma_start3A_88 = arith.constant 0 : i32
    %dma_start3A_89 = arith.constant 0 : i32
    %dma_start3A_90 = tpu.memref_slice %arg6[%dma_start3A_87, %dma_start3A_88, %dma_start3A_89] : memref<10x128x32xf32, #tpu.memory_space<vmem>> -> memref<1x128x32xf32, #tpu.memory_space<vmem>>
    %dma_start3A_91 = tpu.memref_squeeze %dma_start3A_90 : memref<1x128x32xf32, #tpu.memory_space<vmem>> -> memref<128x32xf32, #tpu.memory_space<vmem>>
    %dma_start3A_92 = arith.constant 0 : i32
    %dma_start3A_93 = tpu.memref_slice %arg5[%dma_start3A_86, %dma_start3A_92] : memref<200x128xi32, #tpu.memory_space<vmem>> -> memref<1x128xi32, #tpu.memory_space<vmem>>
    %dma_start3A_94 = tpu.memref_squeeze %dma_start3A_93 : memref<1x128xi32, #tpu.memory_space<vmem>> -> memref<128xi32, #tpu.memory_space<vmem>>
    %dma_start3A_95 = arith.constant 0 : i32
    %dma_start3A_96 = arith.constant 0 : i32
    %dma_start3A_97 = tpu.memref_slice %arg3[%dma_start3A_95, %dma_start3A_96] : memref<1000000x32xf32, #tpu.memory_space<hbm>> -> memref<1000000x32xf32, #tpu.memory_space<hbm>>
    tpu.enqueue_indirect_dma source(%dma_start3A_97 : memref<1000000x32xf32, #tpu.memory_space<hbm>>) target(%dma_start3A_91 : memref<128x32xf32, #tpu.memory_space<vmem>>) offsets(%dma_start3A_94 : memref<128xi32, #tpu.memory_space<vmem>>) semaphore(%arg8 : memref<!tpu.dma_semaphore, #tpu.memory_space<semaphore_mem>>)
    %dma_start3A_98 = arith.constant 8 : i32
    %dma_start3A_99 = arith.constant 8 : i32
    %dma_start3A_100 = arith.constant 0 : i32
    %dma_start3A_101 = arith.constant 0 : i32
    %dma_start3A_102 = tpu.memref_slice %arg6[%dma_start3A_99, %dma_start3A_100, %dma_start3A_101] : memref<10x128x32xf32, #tpu.memory_space<vmem>> -> memref<1x128x32xf32, #tpu.memory_space<vmem>>
    %dma_start3A_103 = tpu.memref_squeeze %dma_start3A_102 : memref<1x128x32xf32, #tpu.memory_space<vmem>> -> memref<128x32xf32, #tpu.memory_space<vmem>>
    %dma_start3A_104 = arith.constant 0 : i32
    %dma_start3A_105 = tpu.memref_slice %arg5[%dma_start3A_98, %dma_start3A_104] : memref<200x128xi32, #tpu.memory_space<vmem>> -> memref<1x128xi32, #tpu.memory_space<vmem>>
    %dma_start3A_106 = tpu.memref_squeeze %dma_start3A_105 : memref<1x128xi32, #tpu.memory_space<vmem>> -> memref<128xi32, #tpu.memory_space<vmem>>
    %dma_start3A_107 = arith.constant 0 : i32
    %dma_start3A_108 = arith.constant 0 : i32
    %dma_start3A_109 = tpu.memref_slice %arg3[%dma_start3A_107, %dma_start3A_108] : memref<1000000x32xf32, #tpu.memory_space<hbm>> -> memref<1000000x32xf32, #tpu.memory_space<hbm>>
    tpu.enqueue_indirect_dma source(%dma_start3A_109 : memref<1000000x32xf32, #tpu.memory_space<hbm>>) target(%dma_start3A_103 : memref<128x32xf32, #tpu.memory_space<vmem>>) offsets(%dma_start3A_106 : memref<128xi32, #tpu.memory_space<vmem>>) semaphore(%arg8 : memref<!tpu.dma_semaphore, #tpu.memory_space<semaphore_mem>>)
    %dma_start3A_110 = arith.constant 9 : i32
    %dma_start3A_111 = arith.constant 9 : i32
    %dma_start3A_112 = arith.constant 0 : i32
    %dma_start3A_113 = arith.constant 0 : i32
    %dma_start3A_114 = tpu.memref_slice %arg6[%dma_start3A_111, %dma_start3A_112, %dma_start3A_113] : memref<10x128x32xf32, #tpu.memory_space<vmem>> -> memref<1x128x32xf32, #tpu.memory_space<vmem>>
    %dma_start3A_115 = tpu.memref_squeeze %dma_start3A_114 : memref<1x128x32xf32, #tpu.memory_space<vmem>> -> memref<128x32xf32, #tpu.memory_space<vmem>>
    %dma_start3A_116 = arith.constant 0 : i32
    %dma_start3A_117 = tpu.memref_slice %arg5[%dma_start3A_110, %dma_start3A_116] : memref<200x128xi32, #tpu.memory_space<vmem>> -> memref<1x128xi32, #tpu.memory_space<vmem>>
    %dma_start3A_118 = tpu.memref_squeeze %dma_start3A_117 : memref<1x128xi32, #tpu.memory_space<vmem>> -> memref<128xi32, #tpu.memory_space<vmem>>
    %dma_start3A_119 = arith.constant 0 : i32
    %dma_start3A_120 = arith.constant 0 : i32
    %dma_start3A_121 = tpu.memref_slice %arg3[%dma_start3A_119, %dma_start3A_120] : memref<1000000x32xf32, #tpu.memory_space<hbm>> -> memref<1000000x32xf32, #tpu.memory_space<hbm>>
    tpu.enqueue_indirect_dma source(%dma_start3A_121 : memref<1000000x32xf32, #tpu.memory_space<hbm>>) target(%dma_start3A_115 : memref<128x32xf32, #tpu.memory_space<vmem>>) offsets(%dma_start3A_118 : memref<128xi32, #tpu.memory_space<vmem>>) semaphore(%arg8 : memref<!tpu.dma_semaphore, #tpu.memory_space<semaphore_mem>>)
    %scan3A = arith.constant 0 : i32
    %scan3A_122 = arith.constant 10 : i32
    %scan3A_123 = arith.addi %scan3A, %scan3A_122 : i32
    %scan3A_124 = arith.constant 1 : i32
    scf.for %scan3A_141 = %scan3A to %scan3A_123 step %scan3A_124  : i32 {
      %mul3A_142 = arith.constant 2 : i32
      %mul3A_143 = arith.muli %mul3A_142, %scan3A_141 : i32
      %mul3A_144 = arith.constant 2 : i32
      %mul3A_145 = arith.muli %mul3A_144, %scan3A_141 : i32
      %add3A_146 = arith.constant 1 : i32
      %add3A_147 = arith.addi %mul3A_145, %add3A_146 : i32
      %gt3A = arith.constant 0 : i32
      %gt3A_148 = arith.cmpi sgt, %scan3A_141, %gt3A : i32
      %convert_element_type3A = arith.extui %gt3A_148 : i1 to i32
      %cond3A = arith.constant 0 : i32
      %cond3A_149 = arith.cmpi ne, %convert_element_type3A, %cond3A : i32
      scf.if %cond3A_149 {
        %sub3A = arith.constant 2 : i32
        %sub3A_622 = arith.subi %add3A_147, %sub3A : i32
        %mul3A_623 = arith.constant 10 : i32
        %mul3A_624 = arith.muli %sub3A_622, %mul3A_623 : i32
        %add3A_625 = arith.addi %mul3A_2, %mul3A_624 : i32
        %dma_wait3A_626 = arith.constant 0 : i32
        %dma_wait3A_627 = arith.constant 0 : i32
        %dma_wait3A_628 = tpu.memref_slice %arg4[%add3A_625, %dma_wait3A_626, %dma_wait3A_627] : memref<6400x128x32xf32, #tpu.memory_space<hbm>> -> memref<10x128x32xf32, #tpu.memory_space<hbm>>
        %dma_wait3A_629 = arith.constant 0 : i32
        %dma_wait3A_630 = arith.constant 0 : i32
        %dma_wait3A_631 = tpu.memref_slice %arg4[%add3A_625, %dma_wait3A_629, %dma_wait3A_630] : memref<6400x128x32xf32, #tpu.memory_space<hbm>> -> memref<10x128x32xf32, #tpu.memory_space<hbm>>
        tpu.wait_dma2 semaphore(%arg11 : memref<!tpu.dma_semaphore, #tpu.memory_space<semaphore_mem>>) src(%arg7 : memref<10x128x32xf32, #tpu.memory_space<vmem>>) dst(%dma_wait3A_631 : memref<10x128x32xf32, #tpu.memory_space<hbm>>)
      } else {
      }
      %mul3A_150 = arith.constant 10 : i32
      %mul3A_151 = arith.muli %add3A_147, %mul3A_150 : i32
      %add3A_152 = arith.constant 0 : i32
      %add3A_153 = arith.addi %mul3A_151, %add3A_152 : i32
      %dma_start3A_154 = arith.constant 0 : i32
      %dma_start3A_155 = arith.constant 0 : i32
      %dma_start3A_156 = arith.constant 0 : i32
      %dma_start3A_157 = tpu.memref_slice %arg7[%dma_start3A_154, %dma_start3A_155, %dma_start3A_156] : memref<10x128x32xf32, #tpu.memory_space<vmem>> -> memref<1x128x32xf32, #tpu.memory_space<vmem>>
      %dma_start3A_158 = tpu.memref_squeeze %dma_start3A_157 : memref<1x128x32xf32, #tpu.memory_space<vmem>> -> memref<128x32xf32, #tpu.memory_space<vmem>>
      %dma_start3A_159 = arith.constant 0 : i32
      %dma_start3A_160 = tpu.memref_slice %arg5[%add3A_153, %dma_start3A_159] : memref<200x128xi32, #tpu.memory_space<vmem>> -> memref<1x128xi32, #tpu.memory_space<vmem>>
      %dma_start3A_161 = tpu.memref_squeeze %dma_start3A_160 : memref<1x128xi32, #tpu.memory_space<vmem>> -> memref<128xi32, #tpu.memory_space<vmem>>
      %dma_start3A_162 = arith.constant 0 : i32
      %dma_start3A_163 = arith.constant 0 : i32
      %dma_start3A_164 = tpu.memref_slice %arg3[%dma_start3A_162, %dma_start3A_163] : memref<1000000x32xf32, #tpu.memory_space<hbm>> -> memref<1000000x32xf32, #tpu.memory_space<hbm>>
      tpu.enqueue_indirect_dma source(%dma_start3A_164 : memref<1000000x32xf32, #tpu.memory_space<hbm>>) target(%dma_start3A_158 : memref<128x32xf32, #tpu.memory_space<vmem>>) offsets(%dma_start3A_161 : memref<128xi32, #tpu.memory_space<vmem>>) semaphore(%arg9 : memref<!tpu.dma_semaphore, #tpu.memory_space<semaphore_mem>>)
      %mul3A_165 = arith.constant 10 : i32
      %mul3A_166 = arith.muli %add3A_147, %mul3A_165 : i32
      %add3A_167 = arith.constant 1 : i32
      %add3A_168 = arith.addi %mul3A_166, %add3A_167 : i32
      %dma_start3A_169 = arith.constant 1 : i32
      %dma_start3A_170 = arith.constant 0 : i32
      %dma_start3A_171 = arith.constant 0 : i32
      %dma_start3A_172 = tpu.memref_slice %arg7[%dma_start3A_169, %dma_start3A_170, %dma_start3A_171] : memref<10x128x32xf32, #tpu.memory_space<vmem>> -> memref<1x128x32xf32, #tpu.memory_space<vmem>>
      %dma_start3A_173 = tpu.memref_squeeze %dma_start3A_172 : memref<1x128x32xf32, #tpu.memory_space<vmem>> -> memref<128x32xf32, #tpu.memory_space<vmem>>
      %dma_start3A_174 = arith.constant 0 : i32
      %dma_start3A_175 = tpu.memref_slice %arg5[%add3A_168, %dma_start3A_174] : memref<200x128xi32, #tpu.memory_space<vmem>> -> memref<1x128xi32, #tpu.memory_space<vmem>>
      %dma_start3A_176 = tpu.memref_squeeze %dma_start3A_175 : memref<1x128xi32, #tpu.memory_space<vmem>> -> memref<128xi32, #tpu.memory_space<vmem>>
      %dma_start3A_177 = arith.constant 0 : i32
      %dma_start3A_178 = arith.constant 0 : i32
      %dma_start3A_179 = tpu.memref_slice %arg3[%dma_start3A_177, %dma_start3A_178] : memref<1000000x32xf32, #tpu.memory_space<hbm>> -> memref<1000000x32xf32, #tpu.memory_space<hbm>>
      tpu.enqueue_indirect_dma source(%dma_start3A_179 : memref<1000000x32xf32, #tpu.memory_space<hbm>>) target(%dma_start3A_173 : memref<128x32xf32, #tpu.memory_space<vmem>>) offsets(%dma_start3A_176 : memref<128xi32, #tpu.memory_space<vmem>>) semaphore(%arg9 : memref<!tpu.dma_semaphore, #tpu.memory_space<semaphore_mem>>)
      %mul3A_180 = arith.constant 10 : i32
      %mul3A_181 = arith.muli %add3A_147, %mul3A_180 : i32
      %add3A_182 = arith.constant 2 : i32
      %add3A_183 = arith.addi %mul3A_181, %add3A_182 : i32
      %dma_start3A_184 = arith.constant 2 : i32
      %dma_start3A_185 = arith.constant 0 : i32
      %dma_start3A_186 = arith.constant 0 : i32
      %dma_start3A_187 = tpu.memref_slice %arg7[%dma_start3A_184, %dma_start3A_185, %dma_start3A_186] : memref<10x128x32xf32, #tpu.memory_space<vmem>> -> memref<1x128x32xf32, #tpu.memory_space<vmem>>
      %dma_start3A_188 = tpu.memref_squeeze %dma_start3A_187 : memref<1x128x32xf32, #tpu.memory_space<vmem>> -> memref<128x32xf32, #tpu.memory_space<vmem>>
      %dma_start3A_189 = arith.constant 0 : i32
      %dma_start3A_190 = tpu.memref_slice %arg5[%add3A_183, %dma_start3A_189] : memref<200x128xi32, #tpu.memory_space<vmem>> -> memref<1x128xi32, #tpu.memory_space<vmem>>
      %dma_start3A_191 = tpu.memref_squeeze %dma_start3A_190 : memref<1x128xi32, #tpu.memory_space<vmem>> -> memref<128xi32, #tpu.memory_space<vmem>>
      %dma_start3A_192 = arith.constant 0 : i32
      %dma_start3A_193 = arith.constant 0 : i32
      %dma_start3A_194 = tpu.memref_slice %arg3[%dma_start3A_192, %dma_start3A_193] : memref<1000000x32xf32, #tpu.memory_space<hbm>> -> memref<1000000x32xf32, #tpu.memory_space<hbm>>
      tpu.enqueue_indirect_dma source(%dma_start3A_194 : memref<1000000x32xf32, #tpu.memory_space<hbm>>) target(%dma_start3A_188 : memref<128x32xf32, #tpu.memory_space<vmem>>) offsets(%dma_start3A_191 : memref<128xi32, #tpu.memory_space<vmem>>) semaphore(%arg9 : memref<!tpu.dma_semaphore, #tpu.memory_space<semaphore_mem>>)
      %mul3A_195 = arith.constant 10 : i32
      %mul3A_196 = arith.muli %add3A_147, %mul3A_195 : i32
      %add3A_197 = arith.constant 3 : i32
      %add3A_198 = arith.addi %mul3A_196, %add3A_197 : i32
      %dma_start3A_199 = arith.constant 3 : i32
      %dma_start3A_200 = arith.constant 0 : i32
      %dma_start3A_201 = arith.constant 0 : i32
      %dma_start3A_202 = tpu.memref_slice %arg7[%dma_start3A_199, %dma_start3A_200, %dma_start3A_201] : memref<10x128x32xf32, #tpu.memory_space<vmem>> -> memref<1x128x32xf32, #tpu.memory_space<vmem>>
      %dma_start3A_203 = tpu.memref_squeeze %dma_start3A_202 : memref<1x128x32xf32, #tpu.memory_space<vmem>> -> memref<128x32xf32, #tpu.memory_space<vmem>>
      %dma_start3A_204 = arith.constant 0 : i32
      %dma_start3A_205 = tpu.memref_slice %arg5[%add3A_198, %dma_start3A_204] : memref<200x128xi32, #tpu.memory_space<vmem>> -> memref<1x128xi32, #tpu.memory_space<vmem>>
      %dma_start3A_206 = tpu.memref_squeeze %dma_start3A_205 : memref<1x128xi32, #tpu.memory_space<vmem>> -> memref<128xi32, #tpu.memory_space<vmem>>
      %dma_start3A_207 = arith.constant 0 : i32
      %dma_start3A_208 = arith.constant 0 : i32
      %dma_start3A_209 = tpu.memref_slice %arg3[%dma_start3A_207, %dma_start3A_208] : memref<1000000x32xf32, #tpu.memory_space<hbm>> -> memref<1000000x32xf32, #tpu.memory_space<hbm>>
      tpu.enqueue_indirect_dma source(%dma_start3A_209 : memref<1000000x32xf32, #tpu.memory_space<hbm>>) target(%dma_start3A_203 : memref<128x32xf32, #tpu.memory_space<vmem>>) offsets(%dma_start3A_206 : memref<128xi32, #tpu.memory_space<vmem>>) semaphore(%arg9 : memref<!tpu.dma_semaphore, #tpu.memory_space<semaphore_mem>>)
      %mul3A_210 = arith.constant 10 : i32
      %mul3A_211 = arith.muli %add3A_147, %mul3A_210 : i32
      %add3A_212 = arith.constant 4 : i32
      %add3A_213 = arith.addi %mul3A_211, %add3A_212 : i32
      %dma_start3A_214 = arith.constant 4 : i32
      %dma_start3A_215 = arith.constant 0 : i32
      %dma_start3A_216 = arith.constant 0 : i32
      %dma_start3A_217 = tpu.memref_slice %arg7[%dma_start3A_214, %dma_start3A_215, %dma_start3A_216] : memref<10x128x32xf32, #tpu.memory_space<vmem>> -> memref<1x128x32xf32, #tpu.memory_space<vmem>>
      %dma_start3A_218 = tpu.memref_squeeze %dma_start3A_217 : memref<1x128x32xf32, #tpu.memory_space<vmem>> -> memref<128x32xf32, #tpu.memory_space<vmem>>
      %dma_start3A_219 = arith.constant 0 : i32
      %dma_start3A_220 = tpu.memref_slice %arg5[%add3A_213, %dma_start3A_219] : memref<200x128xi32, #tpu.memory_space<vmem>> -> memref<1x128xi32, #tpu.memory_space<vmem>>
      %dma_start3A_221 = tpu.memref_squeeze %dma_start3A_220 : memref<1x128xi32, #tpu.memory_space<vmem>> -> memref<128xi32, #tpu.memory_space<vmem>>
      %dma_start3A_222 = arith.constant 0 : i32
      %dma_start3A_223 = arith.constant 0 : i32
      %dma_start3A_224 = tpu.memref_slice %arg3[%dma_start3A_222, %dma_start3A_223] : memref<1000000x32xf32, #tpu.memory_space<hbm>> -> memref<1000000x32xf32, #tpu.memory_space<hbm>>
      tpu.enqueue_indirect_dma source(%dma_start3A_224 : memref<1000000x32xf32, #tpu.memory_space<hbm>>) target(%dma_start3A_218 : memref<128x32xf32, #tpu.memory_space<vmem>>) offsets(%dma_start3A_221 : memref<128xi32, #tpu.memory_space<vmem>>) semaphore(%arg9 : memref<!tpu.dma_semaphore, #tpu.memory_space<semaphore_mem>>)
      %mul3A_225 = arith.constant 10 : i32
      %mul3A_226 = arith.muli %add3A_147, %mul3A_225 : i32
      %add3A_227 = arith.constant 5 : i32
      %add3A_228 = arith.addi %mul3A_226, %add3A_227 : i32
      %dma_start3A_229 = arith.constant 5 : i32
      %dma_start3A_230 = arith.constant 0 : i32
      %dma_start3A_231 = arith.constant 0 : i32
      %dma_start3A_232 = tpu.memref_slice %arg7[%dma_start3A_229, %dma_start3A_230, %dma_start3A_231] : memref<10x128x32xf32, #tpu.memory_space<vmem>> -> memref<1x128x32xf32, #tpu.memory_space<vmem>>
      %dma_start3A_233 = tpu.memref_squeeze %dma_start3A_232 : memref<1x128x32xf32, #tpu.memory_space<vmem>> -> memref<128x32xf32, #tpu.memory_space<vmem>>
      %dma_start3A_234 = arith.constant 0 : i32
      %dma_start3A_235 = tpu.memref_slice %arg5[%add3A_228, %dma_start3A_234] : memref<200x128xi32, #tpu.memory_space<vmem>> -> memref<1x128xi32, #tpu.memory_space<vmem>>
      %dma_start3A_236 = tpu.memref_squeeze %dma_start3A_235 : memref<1x128xi32, #tpu.memory_space<vmem>> -> memref<128xi32, #tpu.memory_space<vmem>>
      %dma_start3A_237 = arith.constant 0 : i32
      %dma_start3A_238 = arith.constant 0 : i32
      %dma_start3A_239 = tpu.memref_slice %arg3[%dma_start3A_237, %dma_start3A_238] : memref<1000000x32xf32, #tpu.memory_space<hbm>> -> memref<1000000x32xf32, #tpu.memory_space<hbm>>
      tpu.enqueue_indirect_dma source(%dma_start3A_239 : memref<1000000x32xf32, #tpu.memory_space<hbm>>) target(%dma_start3A_233 : memref<128x32xf32, #tpu.memory_space<vmem>>) offsets(%dma_start3A_236 : memref<128xi32, #tpu.memory_space<vmem>>) semaphore(%arg9 : memref<!tpu.dma_semaphore, #tpu.memory_space<semaphore_mem>>)
      %mul3A_240 = arith.constant 10 : i32
      %mul3A_241 = arith.muli %add3A_147, %mul3A_240 : i32
      %add3A_242 = arith.constant 6 : i32
      %add3A_243 = arith.addi %mul3A_241, %add3A_242 : i32
      %dma_start3A_244 = arith.constant 6 : i32
      %dma_start3A_245 = arith.constant 0 : i32
      %dma_start3A_246 = arith.constant 0 : i32
      %dma_start3A_247 = tpu.memref_slice %arg7[%dma_start3A_244, %dma_start3A_245, %dma_start3A_246] : memref<10x128x32xf32, #tpu.memory_space<vmem>> -> memref<1x128x32xf32, #tpu.memory_space<vmem>>
      %dma_start3A_248 = tpu.memref_squeeze %dma_start3A_247 : memref<1x128x32xf32, #tpu.memory_space<vmem>> -> memref<128x32xf32, #tpu.memory_space<vmem>>
      %dma_start3A_249 = arith.constant 0 : i32
      %dma_start3A_250 = tpu.memref_slice %arg5[%add3A_243, %dma_start3A_249] : memref<200x128xi32, #tpu.memory_space<vmem>> -> memref<1x128xi32, #tpu.memory_space<vmem>>
      %dma_start3A_251 = tpu.memref_squeeze %dma_start3A_250 : memref<1x128xi32, #tpu.memory_space<vmem>> -> memref<128xi32, #tpu.memory_space<vmem>>
      %dma_start3A_252 = arith.constant 0 : i32
      %dma_start3A_253 = arith.constant 0 : i32
      %dma_start3A_254 = tpu.memref_slice %arg3[%dma_start3A_252, %dma_start3A_253] : memref<1000000x32xf32, #tpu.memory_space<hbm>> -> memref<1000000x32xf32, #tpu.memory_space<hbm>>
      tpu.enqueue_indirect_dma source(%dma_start3A_254 : memref<1000000x32xf32, #tpu.memory_space<hbm>>) target(%dma_start3A_248 : memref<128x32xf32, #tpu.memory_space<vmem>>) offsets(%dma_start3A_251 : memref<128xi32, #tpu.memory_space<vmem>>) semaphore(%arg9 : memref<!tpu.dma_semaphore, #tpu.memory_space<semaphore_mem>>)
      %mul3A_255 = arith.constant 10 : i32
      %mul3A_256 = arith.muli %add3A_147, %mul3A_255 : i32
      %add3A_257 = arith.constant 7 : i32
      %add3A_258 = arith.addi %mul3A_256, %add3A_257 : i32
      %dma_start3A_259 = arith.constant 7 : i32
      %dma_start3A_260 = arith.constant 0 : i32
      %dma_start3A_261 = arith.constant 0 : i32
      %dma_start3A_262 = tpu.memref_slice %arg7[%dma_start3A_259, %dma_start3A_260, %dma_start3A_261] : memref<10x128x32xf32, #tpu.memory_space<vmem>> -> memref<1x128x32xf32, #tpu.memory_space<vmem>>
      %dma_start3A_263 = tpu.memref_squeeze %dma_start3A_262 : memref<1x128x32xf32, #tpu.memory_space<vmem>> -> memref<128x32xf32, #tpu.memory_space<vmem>>
      %dma_start3A_264 = arith.constant 0 : i32
      %dma_start3A_265 = tpu.memref_slice %arg5[%add3A_258, %dma_start3A_264] : memref<200x128xi32, #tpu.memory_space<vmem>> -> memref<1x128xi32, #tpu.memory_space<vmem>>
      %dma_start3A_266 = tpu.memref_squeeze %dma_start3A_265 : memref<1x128xi32, #tpu.memory_space<vmem>> -> memref<128xi32, #tpu.memory_space<vmem>>
      %dma_start3A_267 = arith.constant 0 : i32
      %dma_start3A_268 = arith.constant 0 : i32
      %dma_start3A_269 = tpu.memref_slice %arg3[%dma_start3A_267, %dma_start3A_268] : memref<1000000x32xf32, #tpu.memory_space<hbm>> -> memref<1000000x32xf32, #tpu.memory_space<hbm>>
      tpu.enqueue_indirect_dma source(%dma_start3A_269 : memref<1000000x32xf32, #tpu.memory_space<hbm>>) target(%dma_start3A_263 : memref<128x32xf32, #tpu.memory_space<vmem>>) offsets(%dma_start3A_266 : memref<128xi32, #tpu.memory_space<vmem>>) semaphore(%arg9 : memref<!tpu.dma_semaphore, #tpu.memory_space<semaphore_mem>>)
      %mul3A_270 = arith.constant 10 : i32
      %mul3A_271 = arith.muli %add3A_147, %mul3A_270 : i32
      %add3A_272 = arith.constant 8 : i32
      %add3A_273 = arith.addi %mul3A_271, %add3A_272 : i32
      %dma_start3A_274 = arith.constant 8 : i32
      %dma_start3A_275 = arith.constant 0 : i32
      %dma_start3A_276 = arith.constant 0 : i32
      %dma_start3A_277 = tpu.memref_slice %arg7[%dma_start3A_274, %dma_start3A_275, %dma_start3A_276] : memref<10x128x32xf32, #tpu.memory_space<vmem>> -> memref<1x128x32xf32, #tpu.memory_space<vmem>>
      %dma_start3A_278 = tpu.memref_squeeze %dma_start3A_277 : memref<1x128x32xf32, #tpu.memory_space<vmem>> -> memref<128x32xf32, #tpu.memory_space<vmem>>
      %dma_start3A_279 = arith.constant 0 : i32
      %dma_start3A_280 = tpu.memref_slice %arg5[%add3A_273, %dma_start3A_279] : memref<200x128xi32, #tpu.memory_space<vmem>> -> memref<1x128xi32, #tpu.memory_space<vmem>>
      %dma_start3A_281 = tpu.memref_squeeze %dma_start3A_280 : memref<1x128xi32, #tpu.memory_space<vmem>> -> memref<128xi32, #tpu.memory_space<vmem>>
      %dma_start3A_282 = arith.constant 0 : i32
      %dma_start3A_283 = arith.constant 0 : i32
      %dma_start3A_284 = tpu.memref_slice %arg3[%dma_start3A_282, %dma_start3A_283] : memref<1000000x32xf32, #tpu.memory_space<hbm>> -> memref<1000000x32xf32, #tpu.memory_space<hbm>>
      tpu.enqueue_indirect_dma source(%dma_start3A_284 : memref<1000000x32xf32, #tpu.memory_space<hbm>>) target(%dma_start3A_278 : memref<128x32xf32, #tpu.memory_space<vmem>>) offsets(%dma_start3A_281 : memref<128xi32, #tpu.memory_space<vmem>>) semaphore(%arg9 : memref<!tpu.dma_semaphore, #tpu.memory_space<semaphore_mem>>)
      %mul3A_285 = arith.constant 10 : i32
      %mul3A_286 = arith.muli %add3A_147, %mul3A_285 : i32
      %add3A_287 = arith.constant 9 : i32
      %add3A_288 = arith.addi %mul3A_286, %add3A_287 : i32
      %dma_start3A_289 = arith.constant 9 : i32
      %dma_start3A_290 = arith.constant 0 : i32
      %dma_start3A_291 = arith.constant 0 : i32
      %dma_start3A_292 = tpu.memref_slice %arg7[%dma_start3A_289, %dma_start3A_290, %dma_start3A_291] : memref<10x128x32xf32, #tpu.memory_space<vmem>> -> memref<1x128x32xf32, #tpu.memory_space<vmem>>
      %dma_start3A_293 = tpu.memref_squeeze %dma_start3A_292 : memref<1x128x32xf32, #tpu.memory_space<vmem>> -> memref<128x32xf32, #tpu.memory_space<vmem>>
      %dma_start3A_294 = arith.constant 0 : i32
      %dma_start3A_295 = tpu.memref_slice %arg5[%add3A_288, %dma_start3A_294] : memref<200x128xi32, #tpu.memory_space<vmem>> -> memref<1x128xi32, #tpu.memory_space<vmem>>
      %dma_start3A_296 = tpu.memref_squeeze %dma_start3A_295 : memref<1x128xi32, #tpu.memory_space<vmem>> -> memref<128xi32, #tpu.memory_space<vmem>>
      %dma_start3A_297 = arith.constant 0 : i32
      %dma_start3A_298 = arith.constant 0 : i32
      %dma_start3A_299 = tpu.memref_slice %arg3[%dma_start3A_297, %dma_start3A_298] : memref<1000000x32xf32, #tpu.memory_space<hbm>> -> memref<1000000x32xf32, #tpu.memory_space<hbm>>
      tpu.enqueue_indirect_dma source(%dma_start3A_299 : memref<1000000x32xf32, #tpu.memory_space<hbm>>) target(%dma_start3A_293 : memref<128x32xf32, #tpu.memory_space<vmem>>) offsets(%dma_start3A_296 : memref<128xi32, #tpu.memory_space<vmem>>) semaphore(%arg9 : memref<!tpu.dma_semaphore, #tpu.memory_space<semaphore_mem>>)
      %mul3A_300 = arith.constant 10 : i32
      %mul3A_301 = arith.muli %mul3A_143, %mul3A_300 : i32
      %add3A_302 = arith.constant 0 : i32
      %add3A_303 = arith.addi %mul3A_301, %add3A_302 : i32
      %dma_wait3A_304 = arith.constant 0 : i32
      %dma_wait3A_305 = arith.constant 0 : i32
      %dma_wait3A_306 = arith.constant 0 : i32
      %dma_wait3A_307 = tpu.memref_slice %arg6[%dma_wait3A_304, %dma_wait3A_305, %dma_wait3A_306] : memref<10x128x32xf32, #tpu.memory_space<vmem>> -> memref<1x128x32xf32, #tpu.memory_space<vmem>>
      %dma_wait3A_308 = tpu.memref_squeeze %dma_wait3A_307 : memref<1x128x32xf32, #tpu.memory_space<vmem>> -> memref<128x32xf32, #tpu.memory_space<vmem>>
      %dma_wait3A_309 = arith.constant 0 : i32
      %dma_wait3A_310 = tpu.memref_slice %arg5[%add3A_303, %dma_wait3A_309] : memref<200x128xi32, #tpu.memory_space<vmem>> -> memref<1x128xi32, #tpu.memory_space<vmem>>
      %dma_wait3A_311 = tpu.memref_squeeze %dma_wait3A_310 : memref<1x128xi32, #tpu.memory_space<vmem>> -> memref<128xi32, #tpu.memory_space<vmem>>
      %dma_wait3A_312 = arith.constant 0 : i32
      %dma_wait3A_313 = arith.constant 0 : i32
      %dma_wait3A_314 = tpu.memref_slice %arg3[%dma_wait3A_312, %dma_wait3A_313] : memref<1000000x32xf32, #tpu.memory_space<hbm>> -> memref<1000000x32xf32, #tpu.memory_space<hbm>>
      tpu.wait_indirect_dma semaphore(%arg8 : memref<!tpu.dma_semaphore, #tpu.memory_space<semaphore_mem>>) src(%dma_wait3A_314 : memref<1000000x32xf32, #tpu.memory_space<hbm>>) dst(%dma_wait3A_308 : memref<128x32xf32, #tpu.memory_space<vmem>>)
      %mul3A_315 = arith.constant 10 : i32
      %mul3A_316 = arith.muli %mul3A_143, %mul3A_315 : i32
      %add3A_317 = arith.constant 1 : i32
      %add3A_318 = arith.addi %mul3A_316, %add3A_317 : i32
      %dma_wait3A_319 = arith.constant 1 : i32
      %dma_wait3A_320 = arith.constant 0 : i32
      %dma_wait3A_321 = arith.constant 0 : i32
      %dma_wait3A_322 = tpu.memref_slice %arg6[%dma_wait3A_319, %dma_wait3A_320, %dma_wait3A_321] : memref<10x128x32xf32, #tpu.memory_space<vmem>> -> memref<1x128x32xf32, #tpu.memory_space<vmem>>
      %dma_wait3A_323 = tpu.memref_squeeze %dma_wait3A_322 : memref<1x128x32xf32, #tpu.memory_space<vmem>> -> memref<128x32xf32, #tpu.memory_space<vmem>>
      %dma_wait3A_324 = arith.constant 0 : i32
      %dma_wait3A_325 = tpu.memref_slice %arg5[%add3A_318, %dma_wait3A_324] : memref<200x128xi32, #tpu.memory_space<vmem>> -> memref<1x128xi32, #tpu.memory_space<vmem>>
      %dma_wait3A_326 = tpu.memref_squeeze %dma_wait3A_325 : memref<1x128xi32, #tpu.memory_space<vmem>> -> memref<128xi32, #tpu.memory_space<vmem>>
      %dma_wait3A_327 = arith.constant 0 : i32
      %dma_wait3A_328 = arith.constant 0 : i32
      %dma_wait3A_329 = tpu.memref_slice %arg3[%dma_wait3A_327, %dma_wait3A_328] : memref<1000000x32xf32, #tpu.memory_space<hbm>> -> memref<1000000x32xf32, #tpu.memory_space<hbm>>
      tpu.wait_indirect_dma semaphore(%arg8 : memref<!tpu.dma_semaphore, #tpu.memory_space<semaphore_mem>>) src(%dma_wait3A_329 : memref<1000000x32xf32, #tpu.memory_space<hbm>>) dst(%dma_wait3A_323 : memref<128x32xf32, #tpu.memory_space<vmem>>)
      %mul3A_330 = arith.constant 10 : i32
      %mul3A_331 = arith.muli %mul3A_143, %mul3A_330 : i32
      %add3A_332 = arith.constant 2 : i32
      %add3A_333 = arith.addi %mul3A_331, %add3A_332 : i32
      %dma_wait3A_334 = arith.constant 2 : i32
      %dma_wait3A_335 = arith.constant 0 : i32
      %dma_wait3A_336 = arith.constant 0 : i32
      %dma_wait3A_337 = tpu.memref_slice %arg6[%dma_wait3A_334, %dma_wait3A_335, %dma_wait3A_336] : memref<10x128x32xf32, #tpu.memory_space<vmem>> -> memref<1x128x32xf32, #tpu.memory_space<vmem>>
      %dma_wait3A_338 = tpu.memref_squeeze %dma_wait3A_337 : memref<1x128x32xf32, #tpu.memory_space<vmem>> -> memref<128x32xf32, #tpu.memory_space<vmem>>
      %dma_wait3A_339 = arith.constant 0 : i32
      %dma_wait3A_340 = tpu.memref_slice %arg5[%add3A_333, %dma_wait3A_339] : memref<200x128xi32, #tpu.memory_space<vmem>> -> memref<1x128xi32, #tpu.memory_space<vmem>>
      %dma_wait3A_341 = tpu.memref_squeeze %dma_wait3A_340 : memref<1x128xi32, #tpu.memory_space<vmem>> -> memref<128xi32, #tpu.memory_space<vmem>>
      %dma_wait3A_342 = arith.constant 0 : i32
      %dma_wait3A_343 = arith.constant 0 : i32
      %dma_wait3A_344 = tpu.memref_slice %arg3[%dma_wait3A_342, %dma_wait3A_343] : memref<1000000x32xf32, #tpu.memory_space<hbm>> -> memref<1000000x32xf32, #tpu.memory_space<hbm>>
      tpu.wait_indirect_dma semaphore(%arg8 : memref<!tpu.dma_semaphore, #tpu.memory_space<semaphore_mem>>) src(%dma_wait3A_344 : memref<1000000x32xf32, #tpu.memory_space<hbm>>) dst(%dma_wait3A_338 : memref<128x32xf32, #tpu.memory_space<vmem>>)
      %mul3A_345 = arith.constant 10 : i32
      %mul3A_346 = arith.muli %mul3A_143, %mul3A_345 : i32
      %add3A_347 = arith.constant 3 : i32
      %add3A_348 = arith.addi %mul3A_346, %add3A_347 : i32
      %dma_wait3A_349 = arith.constant 3 : i32
      %dma_wait3A_350 = arith.constant 0 : i32
      %dma_wait3A_351 = arith.constant 0 : i32
      %dma_wait3A_352 = tpu.memref_slice %arg6[%dma_wait3A_349, %dma_wait3A_350, %dma_wait3A_351] : memref<10x128x32xf32, #tpu.memory_space<vmem>> -> memref<1x128x32xf32, #tpu.memory_space<vmem>>
      %dma_wait3A_353 = tpu.memref_squeeze %dma_wait3A_352 : memref<1x128x32xf32, #tpu.memory_space<vmem>> -> memref<128x32xf32, #tpu.memory_space<vmem>>
      %dma_wait3A_354 = arith.constant 0 : i32
      %dma_wait3A_355 = tpu.memref_slice %arg5[%add3A_348, %dma_wait3A_354] : memref<200x128xi32, #tpu.memory_space<vmem>> -> memref<1x128xi32, #tpu.memory_space<vmem>>
      %dma_wait3A_356 = tpu.memref_squeeze %dma_wait3A_355 : memref<1x128xi32, #tpu.memory_space<vmem>> -> memref<128xi32, #tpu.memory_space<vmem>>
      %dma_wait3A_357 = arith.constant 0 : i32
      %dma_wait3A_358 = arith.constant 0 : i32
      %dma_wait3A_359 = tpu.memref_slice %arg3[%dma_wait3A_357, %dma_wait3A_358] : memref<1000000x32xf32, #tpu.memory_space<hbm>> -> memref<1000000x32xf32, #tpu.memory_space<hbm>>
      tpu.wait_indirect_dma semaphore(%arg8 : memref<!tpu.dma_semaphore, #tpu.memory_space<semaphore_mem>>) src(%dma_wait3A_359 : memref<1000000x32xf32, #tpu.memory_space<hbm>>) dst(%dma_wait3A_353 : memref<128x32xf32, #tpu.memory_space<vmem>>)
      %mul3A_360 = arith.constant 10 : i32
      %mul3A_361 = arith.muli %mul3A_143, %mul3A_360 : i32
      %add3A_362 = arith.constant 4 : i32
      %add3A_363 = arith.addi %mul3A_361, %add3A_362 : i32
      %dma_wait3A_364 = arith.constant 4 : i32
      %dma_wait3A_365 = arith.constant 0 : i32
      %dma_wait3A_366 = arith.constant 0 : i32
      %dma_wait3A_367 = tpu.memref_slice %arg6[%dma_wait3A_364, %dma_wait3A_365, %dma_wait3A_366] : memref<10x128x32xf32, #tpu.memory_space<vmem>> -> memref<1x128x32xf32, #tpu.memory_space<vmem>>
      %dma_wait3A_368 = tpu.memref_squeeze %dma_wait3A_367 : memref<1x128x32xf32, #tpu.memory_space<vmem>> -> memref<128x32xf32, #tpu.memory_space<vmem>>
      %dma_wait3A_369 = arith.constant 0 : i32
      %dma_wait3A_370 = tpu.memref_slice %arg5[%add3A_363, %dma_wait3A_369] : memref<200x128xi32, #tpu.memory_space<vmem>> -> memref<1x128xi32, #tpu.memory_space<vmem>>
      %dma_wait3A_371 = tpu.memref_squeeze %dma_wait3A_370 : memref<1x128xi32, #tpu.memory_space<vmem>> -> memref<128xi32, #tpu.memory_space<vmem>>
      %dma_wait3A_372 = arith.constant 0 : i32
      %dma_wait3A_373 = arith.constant 0 : i32
      %dma_wait3A_374 = tpu.memref_slice %arg3[%dma_wait3A_372, %dma_wait3A_373] : memref<1000000x32xf32, #tpu.memory_space<hbm>> -> memref<1000000x32xf32, #tpu.memory_space<hbm>>
      tpu.wait_indirect_dma semaphore(%arg8 : memref<!tpu.dma_semaphore, #tpu.memory_space<semaphore_mem>>) src(%dma_wait3A_374 : memref<1000000x32xf32, #tpu.memory_space<hbm>>) dst(%dma_wait3A_368 : memref<128x32xf32, #tpu.memory_space<vmem>>)
      %mul3A_375 = arith.constant 10 : i32
      %mul3A_376 = arith.muli %mul3A_143, %mul3A_375 : i32
      %add3A_377 = arith.constant 5 : i32
      %add3A_378 = arith.addi %mul3A_376, %add3A_377 : i32
      %dma_wait3A_379 = arith.constant 5 : i32
      %dma_wait3A_380 = arith.constant 0 : i32
      %dma_wait3A_381 = arith.constant 0 : i32
      %dma_wait3A_382 = tpu.memref_slice %arg6[%dma_wait3A_379, %dma_wait3A_380, %dma_wait3A_381] : memref<10x128x32xf32, #tpu.memory_space<vmem>> -> memref<1x128x32xf32, #tpu.memory_space<vmem>>
      %dma_wait3A_383 = tpu.memref_squeeze %dma_wait3A_382 : memref<1x128x32xf32, #tpu.memory_space<vmem>> -> memref<128x32xf32, #tpu.memory_space<vmem>>
      %dma_wait3A_384 = arith.constant 0 : i32
      %dma_wait3A_385 = tpu.memref_slice %arg5[%add3A_378, %dma_wait3A_384] : memref<200x128xi32, #tpu.memory_space<vmem>> -> memref<1x128xi32, #tpu.memory_space<vmem>>
      %dma_wait3A_386 = tpu.memref_squeeze %dma_wait3A_385 : memref<1x128xi32, #tpu.memory_space<vmem>> -> memref<128xi32, #tpu.memory_space<vmem>>
      %dma_wait3A_387 = arith.constant 0 : i32
      %dma_wait3A_388 = arith.constant 0 : i32
      %dma_wait3A_389 = tpu.memref_slice %arg3[%dma_wait3A_387, %dma_wait3A_388] : memref<1000000x32xf32, #tpu.memory_space<hbm>> -> memref<1000000x32xf32, #tpu.memory_space<hbm>>
      tpu.wait_indirect_dma semaphore(%arg8 : memref<!tpu.dma_semaphore, #tpu.memory_space<semaphore_mem>>) src(%dma_wait3A_389 : memref<1000000x32xf32, #tpu.memory_space<hbm>>) dst(%dma_wait3A_383 : memref<128x32xf32, #tpu.memory_space<vmem>>)
      %mul3A_390 = arith.constant 10 : i32
      %mul3A_391 = arith.muli %mul3A_143, %mul3A_390 : i32
      %add3A_392 = arith.constant 6 : i32
      %add3A_393 = arith.addi %mul3A_391, %add3A_392 : i32
      %dma_wait3A_394 = arith.constant 6 : i32
      %dma_wait3A_395 = arith.constant 0 : i32
      %dma_wait3A_396 = arith.constant 0 : i32
      %dma_wait3A_397 = tpu.memref_slice %arg6[%dma_wait3A_394, %dma_wait3A_395, %dma_wait3A_396] : memref<10x128x32xf32, #tpu.memory_space<vmem>> -> memref<1x128x32xf32, #tpu.memory_space<vmem>>
      %dma_wait3A_398 = tpu.memref_squeeze %dma_wait3A_397 : memref<1x128x32xf32, #tpu.memory_space<vmem>> -> memref<128x32xf32, #tpu.memory_space<vmem>>
      %dma_wait3A_399 = arith.constant 0 : i32
      %dma_wait3A_400 = tpu.memref_slice %arg5[%add3A_393, %dma_wait3A_399] : memref<200x128xi32, #tpu.memory_space<vmem>> -> memref<1x128xi32, #tpu.memory_space<vmem>>
      %dma_wait3A_401 = tpu.memref_squeeze %dma_wait3A_400 : memref<1x128xi32, #tpu.memory_space<vmem>> -> memref<128xi32, #tpu.memory_space<vmem>>
      %dma_wait3A_402 = arith.constant 0 : i32
      %dma_wait3A_403 = arith.constant 0 : i32
      %dma_wait3A_404 = tpu.memref_slice %arg3[%dma_wait3A_402, %dma_wait3A_403] : memref<1000000x32xf32, #tpu.memory_space<hbm>> -> memref<1000000x32xf32, #tpu.memory_space<hbm>>
      tpu.wait_indirect_dma semaphore(%arg8 : memref<!tpu.dma_semaphore, #tpu.memory_space<semaphore_mem>>) src(%dma_wait3A_404 : memref<1000000x32xf32, #tpu.memory_space<hbm>>) dst(%dma_wait3A_398 : memref<128x32xf32, #tpu.memory_space<vmem>>)
      %mul3A_405 = arith.constant 10 : i32
      %mul3A_406 = arith.muli %mul3A_143, %mul3A_405 : i32
      %add3A_407 = arith.constant 7 : i32
      %add3A_408 = arith.addi %mul3A_406, %add3A_407 : i32
      %dma_wait3A_409 = arith.constant 7 : i32
      %dma_wait3A_410 = arith.constant 0 : i32
      %dma_wait3A_411 = arith.constant 0 : i32
      %dma_wait3A_412 = tpu.memref_slice %arg6[%dma_wait3A_409, %dma_wait3A_410, %dma_wait3A_411] : memref<10x128x32xf32, #tpu.memory_space<vmem>> -> memref<1x128x32xf32, #tpu.memory_space<vmem>>
      %dma_wait3A_413 = tpu.memref_squeeze %dma_wait3A_412 : memref<1x128x32xf32, #tpu.memory_space<vmem>> -> memref<128x32xf32, #tpu.memory_space<vmem>>
      %dma_wait3A_414 = arith.constant 0 : i32
      %dma_wait3A_415 = tpu.memref_slice %arg5[%add3A_408, %dma_wait3A_414] : memref<200x128xi32, #tpu.memory_space<vmem>> -> memref<1x128xi32, #tpu.memory_space<vmem>>
      %dma_wait3A_416 = tpu.memref_squeeze %dma_wait3A_415 : memref<1x128xi32, #tpu.memory_space<vmem>> -> memref<128xi32, #tpu.memory_space<vmem>>
      %dma_wait3A_417 = arith.constant 0 : i32
      %dma_wait3A_418 = arith.constant 0 : i32
      %dma_wait3A_419 = tpu.memref_slice %arg3[%dma_wait3A_417, %dma_wait3A_418] : memref<1000000x32xf32, #tpu.memory_space<hbm>> -> memref<1000000x32xf32, #tpu.memory_space<hbm>>
      tpu.wait_indirect_dma semaphore(%arg8 : memref<!tpu.dma_semaphore, #tpu.memory_space<semaphore_mem>>) src(%dma_wait3A_419 : memref<1000000x32xf32, #tpu.memory_space<hbm>>) dst(%dma_wait3A_413 : memref<128x32xf32, #tpu.memory_space<vmem>>)
      %mul3A_420 = arith.constant 10 : i32
      %mul3A_421 = arith.muli %mul3A_143, %mul3A_420 : i32
      %add3A_422 = arith.constant 8 : i32
      %add3A_423 = arith.addi %mul3A_421, %add3A_422 : i32
      %dma_wait3A_424 = arith.constant 8 : i32
      %dma_wait3A_425 = arith.constant 0 : i32
      %dma_wait3A_426 = arith.constant 0 : i32
      %dma_wait3A_427 = tpu.memref_slice %arg6[%dma_wait3A_424, %dma_wait3A_425, %dma_wait3A_426] : memref<10x128x32xf32, #tpu.memory_space<vmem>> -> memref<1x128x32xf32, #tpu.memory_space<vmem>>
      %dma_wait3A_428 = tpu.memref_squeeze %dma_wait3A_427 : memref<1x128x32xf32, #tpu.memory_space<vmem>> -> memref<128x32xf32, #tpu.memory_space<vmem>>
      %dma_wait3A_429 = arith.constant 0 : i32
      %dma_wait3A_430 = tpu.memref_slice %arg5[%add3A_423, %dma_wait3A_429] : memref<200x128xi32, #tpu.memory_space<vmem>> -> memref<1x128xi32, #tpu.memory_space<vmem>>
      %dma_wait3A_431 = tpu.memref_squeeze %dma_wait3A_430 : memref<1x128xi32, #tpu.memory_space<vmem>> -> memref<128xi32, #tpu.memory_space<vmem>>
      %dma_wait3A_432 = arith.constant 0 : i32
      %dma_wait3A_433 = arith.constant 0 : i32
      %dma_wait3A_434 = tpu.memref_slice %arg3[%dma_wait3A_432, %dma_wait3A_433] : memref<1000000x32xf32, #tpu.memory_space<hbm>> -> memref<1000000x32xf32, #tpu.memory_space<hbm>>
      tpu.wait_indirect_dma semaphore(%arg8 : memref<!tpu.dma_semaphore, #tpu.memory_space<semaphore_mem>>) src(%dma_wait3A_434 : memref<1000000x32xf32, #tpu.memory_space<hbm>>) dst(%dma_wait3A_428 : memref<128x32xf32, #tpu.memory_space<vmem>>)
      %mul3A_435 = arith.constant 10 : i32
      %mul3A_436 = arith.muli %mul3A_143, %mul3A_435 : i32
      %add3A_437 = arith.constant 9 : i32
      %add3A_438 = arith.addi %mul3A_436, %add3A_437 : i32
      %dma_wait3A_439 = arith.constant 9 : i32
      %dma_wait3A_440 = arith.constant 0 : i32
      %dma_wait3A_441 = arith.constant 0 : i32
      %dma_wait3A_442 = tpu.memref_slice %arg6[%dma_wait3A_439, %dma_wait3A_440, %dma_wait3A_441] : memref<10x128x32xf32, #tpu.memory_space<vmem>> -> memref<1x128x32xf32, #tpu.memory_space<vmem>>
      %dma_wait3A_443 = tpu.memref_squeeze %dma_wait3A_442 : memref<1x128x32xf32, #tpu.memory_space<vmem>> -> memref<128x32xf32, #tpu.memory_space<vmem>>
      %dma_wait3A_444 = arith.constant 0 : i32
      %dma_wait3A_445 = tpu.memref_slice %arg5[%add3A_438, %dma_wait3A_444] : memref<200x128xi32, #tpu.memory_space<vmem>> -> memref<1x128xi32, #tpu.memory_space<vmem>>
      %dma_wait3A_446 = tpu.memref_squeeze %dma_wait3A_445 : memref<1x128xi32, #tpu.memory_space<vmem>> -> memref<128xi32, #tpu.memory_space<vmem>>
      %dma_wait3A_447 = arith.constant 0 : i32
      %dma_wait3A_448 = arith.constant 0 : i32
      %dma_wait3A_449 = tpu.memref_slice %arg3[%dma_wait3A_447, %dma_wait3A_448] : memref<1000000x32xf32, #tpu.memory_space<hbm>> -> memref<1000000x32xf32, #tpu.memory_space<hbm>>
      tpu.wait_indirect_dma semaphore(%arg8 : memref<!tpu.dma_semaphore, #tpu.memory_space<semaphore_mem>>) src(%dma_wait3A_449 : memref<1000000x32xf32, #tpu.memory_space<hbm>>) dst(%dma_wait3A_443 : memref<128x32xf32, #tpu.memory_space<vmem>>)
      %mul3A_450 = arith.constant 10 : i32
      %mul3A_451 = arith.muli %mul3A_143, %mul3A_450 : i32
      %add3A_452 = arith.addi %mul3A_2, %mul3A_451 : i32
      %dma_start3A_453 = arith.constant 0 : i32
      %dma_start3A_454 = arith.constant 0 : i32
      %dma_start3A_455 = tpu.memref_slice %arg4[%add3A_452, %dma_start3A_453, %dma_start3A_454] : memref<6400x128x32xf32, #tpu.memory_space<hbm>> -> memref<10x128x32xf32, #tpu.memory_space<hbm>>
      %dma_start3A_456 = arith.constant 0 : i32
      %dma_start3A_457 = arith.constant 0 : i32
      %dma_start3A_458 = tpu.memref_slice %arg4[%add3A_452, %dma_start3A_456, %dma_start3A_457] : memref<6400x128x32xf32, #tpu.memory_space<hbm>> -> memref<10x128x32xf32, #tpu.memory_space<hbm>>
      tpu.enqueue_dma source(%arg6 : memref<10x128x32xf32, #tpu.memory_space<vmem>>) target(%dma_start3A_458 : memref<10x128x32xf32, #tpu.memory_space<hbm>>) target_semaphore(%arg10 : memref<!tpu.dma_semaphore, #tpu.memory_space<semaphore_mem>>)
      %lt3A = arith.constant 9 : i32
      %lt3A_459 = arith.cmpi slt, %scan3A_141, %lt3A : i32
      %convert_element_type3A_460 = arith.extui %lt3A_459 : i1 to i32
      %cond3A_461 = arith.constant 0 : i32
      %cond3A_462 = arith.cmpi ne, %convert_element_type3A_460, %cond3A_461 : i32
      scf.if %cond3A_462 {
        %mul3A_622 = arith.constant 10 : i32
        %mul3A_623 = arith.muli %mul3A_143, %mul3A_622 : i32
        %add3A_624 = arith.addi %mul3A_2, %mul3A_623 : i32
        %dma_wait3A_625 = arith.constant 0 : i32
        %dma_wait3A_626 = arith.constant 0 : i32
        %dma_wait3A_627 = tpu.memref_slice %arg4[%add3A_624, %dma_wait3A_625, %dma_wait3A_626] : memref<6400x128x32xf32, #tpu.memory_space<hbm>> -> memref<10x128x32xf32, #tpu.memory_space<hbm>>
        %dma_wait3A_628 = arith.constant 0 : i32
        %dma_wait3A_629 = arith.constant 0 : i32
        %dma_wait3A_630 = tpu.memref_slice %arg4[%add3A_624, %dma_wait3A_628, %dma_wait3A_629] : memref<6400x128x32xf32, #tpu.memory_space<hbm>> -> memref<10x128x32xf32, #tpu.memory_space<hbm>>
        tpu.wait_dma2 semaphore(%arg10 : memref<!tpu.dma_semaphore, #tpu.memory_space<semaphore_mem>>) src(%arg6 : memref<10x128x32xf32, #tpu.memory_space<vmem>>) dst(%dma_wait3A_630 : memref<10x128x32xf32, #tpu.memory_space<hbm>>)
        %add3A_631 = arith.constant 2 : i32
        %add3A_632 = arith.addi %mul3A_143, %add3A_631 : i32
        %mul3A_633 = arith.constant 10 : i32
        %mul3A_634 = arith.muli %add3A_632, %mul3A_633 : i32
        %add3A_635 = arith.constant 0 : i32
        %add3A_636 = arith.addi %mul3A_634, %add3A_635 : i32
        %dma_start3A_637 = arith.constant 0 : i32
        %dma_start3A_638 = arith.constant 0 : i32
        %dma_start3A_639 = arith.constant 0 : i32
        %dma_start3A_640 = tpu.memref_slice %arg6[%dma_start3A_637, %dma_start3A_638, %dma_start3A_639] : memref<10x128x32xf32, #tpu.memory_space<vmem>> -> memref<1x128x32xf32, #tpu.memory_space<vmem>>
        %dma_start3A_641 = tpu.memref_squeeze %dma_start3A_640 : memref<1x128x32xf32, #tpu.memory_space<vmem>> -> memref<128x32xf32, #tpu.memory_space<vmem>>
        %dma_start3A_642 = arith.constant 0 : i32
        %dma_start3A_643 = tpu.memref_slice %arg5[%add3A_636, %dma_start3A_642] : memref<200x128xi32, #tpu.memory_space<vmem>> -> memref<1x128xi32, #tpu.memory_space<vmem>>
        %dma_start3A_644 = tpu.memref_squeeze %dma_start3A_643 : memref<1x128xi32, #tpu.memory_space<vmem>> -> memref<128xi32, #tpu.memory_space<vmem>>
        %dma_start3A_645 = arith.constant 0 : i32
        %dma_start3A_646 = arith.constant 0 : i32
        %dma_start3A_647 = tpu.memref_slice %arg3[%dma_start3A_645, %dma_start3A_646] : memref<1000000x32xf32, #tpu.memory_space<hbm>> -> memref<1000000x32xf32, #tpu.memory_space<hbm>>
        tpu.enqueue_indirect_dma source(%dma_start3A_647 : memref<1000000x32xf32, #tpu.memory_space<hbm>>) target(%dma_start3A_641 : memref<128x32xf32, #tpu.memory_space<vmem>>) offsets(%dma_start3A_644 : memref<128xi32, #tpu.memory_space<vmem>>) semaphore(%arg8 : memref<!tpu.dma_semaphore, #tpu.memory_space<semaphore_mem>>)
        %mul3A_648 = arith.constant 10 : i32
        %mul3A_649 = arith.muli %add3A_632, %mul3A_648 : i32
        %add3A_650 = arith.constant 1 : i32
        %add3A_651 = arith.addi %mul3A_649, %add3A_650 : i32
        %dma_start3A_652 = arith.constant 1 : i32
        %dma_start3A_653 = arith.constant 0 : i32
        %dma_start3A_654 = arith.constant 0 : i32
        %dma_start3A_655 = tpu.memref_slice %arg6[%dma_start3A_652, %dma_start3A_653, %dma_start3A_654] : memref<10x128x32xf32, #tpu.memory_space<vmem>> -> memref<1x128x32xf32, #tpu.memory_space<vmem>>
        %dma_start3A_656 = tpu.memref_squeeze %dma_start3A_655 : memref<1x128x32xf32, #tpu.memory_space<vmem>> -> memref<128x32xf32, #tpu.memory_space<vmem>>
        %dma_start3A_657 = arith.constant 0 : i32
        %dma_start3A_658 = tpu.memref_slice %arg5[%add3A_651, %dma_start3A_657] : memref<200x128xi32, #tpu.memory_space<vmem>> -> memref<1x128xi32, #tpu.memory_space<vmem>>
        %dma_start3A_659 = tpu.memref_squeeze %dma_start3A_658 : memref<1x128xi32, #tpu.memory_space<vmem>> -> memref<128xi32, #tpu.memory_space<vmem>>
        %dma_start3A_660 = arith.constant 0 : i32
        %dma_start3A_661 = arith.constant 0 : i32
        %dma_start3A_662 = tpu.memref_slice %arg3[%dma_start3A_660, %dma_start3A_661] : memref<1000000x32xf32, #tpu.memory_space<hbm>> -> memref<1000000x32xf32, #tpu.memory_space<hbm>>
        tpu.enqueue_indirect_dma source(%dma_start3A_662 : memref<1000000x32xf32, #tpu.memory_space<hbm>>) target(%dma_start3A_656 : memref<128x32xf32, #tpu.memory_space<vmem>>) offsets(%dma_start3A_659 : memref<128xi32, #tpu.memory_space<vmem>>) semaphore(%arg8 : memref<!tpu.dma_semaphore, #tpu.memory_space<semaphore_mem>>)
        %mul3A_663 = arith.constant 10 : i32
        %mul3A_664 = arith.muli %add3A_632, %mul3A_663 : i32
        %add3A_665 = arith.constant 2 : i32
        %add3A_666 = arith.addi %mul3A_664, %add3A_665 : i32
        %dma_start3A_667 = arith.constant 2 : i32
        %dma_start3A_668 = arith.constant 0 : i32
        %dma_start3A_669 = arith.constant 0 : i32
        %dma_start3A_670 = tpu.memref_slice %arg6[%dma_start3A_667, %dma_start3A_668, %dma_start3A_669] : memref<10x128x32xf32, #tpu.memory_space<vmem>> -> memref<1x128x32xf32, #tpu.memory_space<vmem>>
        %dma_start3A_671 = tpu.memref_squeeze %dma_start3A_670 : memref<1x128x32xf32, #tpu.memory_space<vmem>> -> memref<128x32xf32, #tpu.memory_space<vmem>>
        %dma_start3A_672 = arith.constant 0 : i32
        %dma_start3A_673 = tpu.memref_slice %arg5[%add3A_666, %dma_start3A_672] : memref<200x128xi32, #tpu.memory_space<vmem>> -> memref<1x128xi32, #tpu.memory_space<vmem>>
        %dma_start3A_674 = tpu.memref_squeeze %dma_start3A_673 : memref<1x128xi32, #tpu.memory_space<vmem>> -> memref<128xi32, #tpu.memory_space<vmem>>
        %dma_start3A_675 = arith.constant 0 : i32
        %dma_start3A_676 = arith.constant 0 : i32
        %dma_start3A_677 = tpu.memref_slice %arg3[%dma_start3A_675, %dma_start3A_676] : memref<1000000x32xf32, #tpu.memory_space<hbm>> -> memref<1000000x32xf32, #tpu.memory_space<hbm>>
        tpu.enqueue_indirect_dma source(%dma_start3A_677 : memref<1000000x32xf32, #tpu.memory_space<hbm>>) target(%dma_start3A_671 : memref<128x32xf32, #tpu.memory_space<vmem>>) offsets(%dma_start3A_674 : memref<128xi32, #tpu.memory_space<vmem>>) semaphore(%arg8 : memref<!tpu.dma_semaphore, #tpu.memory_space<semaphore_mem>>)
        %mul3A_678 = arith.constant 10 : i32
        %mul3A_679 = arith.muli %add3A_632, %mul3A_678 : i32
        %add3A_680 = arith.constant 3 : i32
        %add3A_681 = arith.addi %mul3A_679, %add3A_680 : i32
        %dma_start3A_682 = arith.constant 3 : i32
        %dma_start3A_683 = arith.constant 0 : i32
        %dma_start3A_684 = arith.constant 0 : i32
        %dma_start3A_685 = tpu.memref_slice %arg6[%dma_start3A_682, %dma_start3A_683, %dma_start3A_684] : memref<10x128x32xf32, #tpu.memory_space<vmem>> -> memref<1x128x32xf32, #tpu.memory_space<vmem>>
        %dma_start3A_686 = tpu.memref_squeeze %dma_start3A_685 : memref<1x128x32xf32, #tpu.memory_space<vmem>> -> memref<128x32xf32, #tpu.memory_space<vmem>>
        %dma_start3A_687 = arith.constant 0 : i32
        %dma_start3A_688 = tpu.memref_slice %arg5[%add3A_681, %dma_start3A_687] : memref<200x128xi32, #tpu.memory_space<vmem>> -> memref<1x128xi32, #tpu.memory_space<vmem>>
        %dma_start3A_689 = tpu.memref_squeeze %dma_start3A_688 : memref<1x128xi32, #tpu.memory_space<vmem>> -> memref<128xi32, #tpu.memory_space<vmem>>
        %dma_start3A_690 = arith.constant 0 : i32
        %dma_start3A_691 = arith.constant 0 : i32
        %dma_start3A_692 = tpu.memref_slice %arg3[%dma_start3A_690, %dma_start3A_691] : memref<1000000x32xf32, #tpu.memory_space<hbm>> -> memref<1000000x32xf32, #tpu.memory_space<hbm>>
        tpu.enqueue_indirect_dma source(%dma_start3A_692 : memref<1000000x32xf32, #tpu.memory_space<hbm>>) target(%dma_start3A_686 : memref<128x32xf32, #tpu.memory_space<vmem>>) offsets(%dma_start3A_689 : memref<128xi32, #tpu.memory_space<vmem>>) semaphore(%arg8 : memref<!tpu.dma_semaphore, #tpu.memory_space<semaphore_mem>>)
        %mul3A_693 = arith.constant 10 : i32
        %mul3A_694 = arith.muli %add3A_632, %mul3A_693 : i32
        %add3A_695 = arith.constant 4 : i32
        %add3A_696 = arith.addi %mul3A_694, %add3A_695 : i32
        %dma_start3A_697 = arith.constant 4 : i32
        %dma_start3A_698 = arith.constant 0 : i32
        %dma_start3A_699 = arith.constant 0 : i32
        %dma_start3A_700 = tpu.memref_slice %arg6[%dma_start3A_697, %dma_start3A_698, %dma_start3A_699] : memref<10x128x32xf32, #tpu.memory_space<vmem>> -> memref<1x128x32xf32, #tpu.memory_space<vmem>>
        %dma_start3A_701 = tpu.memref_squeeze %dma_start3A_700 : memref<1x128x32xf32, #tpu.memory_space<vmem>> -> memref<128x32xf32, #tpu.memory_space<vmem>>
        %dma_start3A_702 = arith.constant 0 : i32
        %dma_start3A_703 = tpu.memref_slice %arg5[%add3A_696, %dma_start3A_702] : memref<200x128xi32, #tpu.memory_space<vmem>> -> memref<1x128xi32, #tpu.memory_space<vmem>>
        %dma_start3A_704 = tpu.memref_squeeze %dma_start3A_703 : memref<1x128xi32, #tpu.memory_space<vmem>> -> memref<128xi32, #tpu.memory_space<vmem>>
        %dma_start3A_705 = arith.constant 0 : i32
        %dma_start3A_706 = arith.constant 0 : i32
        %dma_start3A_707 = tpu.memref_slice %arg3[%dma_start3A_705, %dma_start3A_706] : memref<1000000x32xf32, #tpu.memory_space<hbm>> -> memref<1000000x32xf32, #tpu.memory_space<hbm>>
        tpu.enqueue_indirect_dma source(%dma_start3A_707 : memref<1000000x32xf32, #tpu.memory_space<hbm>>) target(%dma_start3A_701 : memref<128x32xf32, #tpu.memory_space<vmem>>) offsets(%dma_start3A_704 : memref<128xi32, #tpu.memory_space<vmem>>) semaphore(%arg8 : memref<!tpu.dma_semaphore, #tpu.memory_space<semaphore_mem>>)
        %mul3A_708 = arith.constant 10 : i32
        %mul3A_709 = arith.muli %add3A_632, %mul3A_708 : i32
        %add3A_710 = arith.constant 5 : i32
        %add3A_711 = arith.addi %mul3A_709, %add3A_710 : i32
        %dma_start3A_712 = arith.constant 5 : i32
        %dma_start3A_713 = arith.constant 0 : i32
        %dma_start3A_714 = arith.constant 0 : i32
        %dma_start3A_715 = tpu.memref_slice %arg6[%dma_start3A_712, %dma_start3A_713, %dma_start3A_714] : memref<10x128x32xf32, #tpu.memory_space<vmem>> -> memref<1x128x32xf32, #tpu.memory_space<vmem>>
        %dma_start3A_716 = tpu.memref_squeeze %dma_start3A_715 : memref<1x128x32xf32, #tpu.memory_space<vmem>> -> memref<128x32xf32, #tpu.memory_space<vmem>>
        %dma_start3A_717 = arith.constant 0 : i32
        %dma_start3A_718 = tpu.memref_slice %arg5[%add3A_711, %dma_start3A_717] : memref<200x128xi32, #tpu.memory_space<vmem>> -> memref<1x128xi32, #tpu.memory_space<vmem>>
        %dma_start3A_719 = tpu.memref_squeeze %dma_start3A_718 : memref<1x128xi32, #tpu.memory_space<vmem>> -> memref<128xi32, #tpu.memory_space<vmem>>
        %dma_start3A_720 = arith.constant 0 : i32
        %dma_start3A_721 = arith.constant 0 : i32
        %dma_start3A_722 = tpu.memref_slice %arg3[%dma_start3A_720, %dma_start3A_721] : memref<1000000x32xf32, #tpu.memory_space<hbm>> -> memref<1000000x32xf32, #tpu.memory_space<hbm>>
        tpu.enqueue_indirect_dma source(%dma_start3A_722 : memref<1000000x32xf32, #tpu.memory_space<hbm>>) target(%dma_start3A_716 : memref<128x32xf32, #tpu.memory_space<vmem>>) offsets(%dma_start3A_719 : memref<128xi32, #tpu.memory_space<vmem>>) semaphore(%arg8 : memref<!tpu.dma_semaphore, #tpu.memory_space<semaphore_mem>>)
        %mul3A_723 = arith.constant 10 : i32
        %mul3A_724 = arith.muli %add3A_632, %mul3A_723 : i32
        %add3A_725 = arith.constant 6 : i32
        %add3A_726 = arith.addi %mul3A_724, %add3A_725 : i32
        %dma_start3A_727 = arith.constant 6 : i32
        %dma_start3A_728 = arith.constant 0 : i32
        %dma_start3A_729 = arith.constant 0 : i32
        %dma_start3A_730 = tpu.memref_slice %arg6[%dma_start3A_727, %dma_start3A_728, %dma_start3A_729] : memref<10x128x32xf32, #tpu.memory_space<vmem>> -> memref<1x128x32xf32, #tpu.memory_space<vmem>>
        %dma_start3A_731 = tpu.memref_squeeze %dma_start3A_730 : memref<1x128x32xf32, #tpu.memory_space<vmem>> -> memref<128x32xf32, #tpu.memory_space<vmem>>
        %dma_start3A_732 = arith.constant 0 : i32
        %dma_start3A_733 = tpu.memref_slice %arg5[%add3A_726, %dma_start3A_732] : memref<200x128xi32, #tpu.memory_space<vmem>> -> memref<1x128xi32, #tpu.memory_space<vmem>>
        %dma_start3A_734 = tpu.memref_squeeze %dma_start3A_733 : memref<1x128xi32, #tpu.memory_space<vmem>> -> memref<128xi32, #tpu.memory_space<vmem>>
        %dma_start3A_735 = arith.constant 0 : i32
        %dma_start3A_736 = arith.constant 0 : i32
        %dma_start3A_737 = tpu.memref_slice %arg3[%dma_start3A_735, %dma_start3A_736] : memref<1000000x32xf32, #tpu.memory_space<hbm>> -> memref<1000000x32xf32, #tpu.memory_space<hbm>>
        tpu.enqueue_indirect_dma source(%dma_start3A_737 : memref<1000000x32xf32, #tpu.memory_space<hbm>>) target(%dma_start3A_731 : memref<128x32xf32, #tpu.memory_space<vmem>>) offsets(%dma_start3A_734 : memref<128xi32, #tpu.memory_space<vmem>>) semaphore(%arg8 : memref<!tpu.dma_semaphore, #tpu.memory_space<semaphore_mem>>)
        %mul3A_738 = arith.constant 10 : i32
        %mul3A_739 = arith.muli %add3A_632, %mul3A_738 : i32
        %add3A_740 = arith.constant 7 : i32
        %add3A_741 = arith.addi %mul3A_739, %add3A_740 : i32
        %dma_start3A_742 = arith.constant 7 : i32
        %dma_start3A_743 = arith.constant 0 : i32
        %dma_start3A_744 = arith.constant 0 : i32
        %dma_start3A_745 = tpu.memref_slice %arg6[%dma_start3A_742, %dma_start3A_743, %dma_start3A_744] : memref<10x128x32xf32, #tpu.memory_space<vmem>> -> memref<1x128x32xf32, #tpu.memory_space<vmem>>
        %dma_start3A_746 = tpu.memref_squeeze %dma_start3A_745 : memref<1x128x32xf32, #tpu.memory_space<vmem>> -> memref<128x32xf32, #tpu.memory_space<vmem>>
        %dma_start3A_747 = arith.constant 0 : i32
        %dma_start3A_748 = tpu.memref_slice %arg5[%add3A_741, %dma_start3A_747] : memref<200x128xi32, #tpu.memory_space<vmem>> -> memref<1x128xi32, #tpu.memory_space<vmem>>
        %dma_start3A_749 = tpu.memref_squeeze %dma_start3A_748 : memref<1x128xi32, #tpu.memory_space<vmem>> -> memref<128xi32, #tpu.memory_space<vmem>>
        %dma_start3A_750 = arith.constant 0 : i32
        %dma_start3A_751 = arith.constant 0 : i32
        %dma_start3A_752 = tpu.memref_slice %arg3[%dma_start3A_750, %dma_start3A_751] : memref<1000000x32xf32, #tpu.memory_space<hbm>> -> memref<1000000x32xf32, #tpu.memory_space<hbm>>
        tpu.enqueue_indirect_dma source(%dma_start3A_752 : memref<1000000x32xf32, #tpu.memory_space<hbm>>) target(%dma_start3A_746 : memref<128x32xf32, #tpu.memory_space<vmem>>) offsets(%dma_start3A_749 : memref<128xi32, #tpu.memory_space<vmem>>) semaphore(%arg8 : memref<!tpu.dma_semaphore, #tpu.memory_space<semaphore_mem>>)
        %mul3A_753 = arith.constant 10 : i32
        %mul3A_754 = arith.muli %add3A_632, %mul3A_753 : i32
        %add3A_755 = arith.constant 8 : i32
        %add3A_756 = arith.addi %mul3A_754, %add3A_755 : i32
        %dma_start3A_757 = arith.constant 8 : i32
        %dma_start3A_758 = arith.constant 0 : i32
        %dma_start3A_759 = arith.constant 0 : i32
        %dma_start3A_760 = tpu.memref_slice %arg6[%dma_start3A_757, %dma_start3A_758, %dma_start3A_759] : memref<10x128x32xf32, #tpu.memory_space<vmem>> -> memref<1x128x32xf32, #tpu.memory_space<vmem>>
        %dma_start3A_761 = tpu.memref_squeeze %dma_start3A_760 : memref<1x128x32xf32, #tpu.memory_space<vmem>> -> memref<128x32xf32, #tpu.memory_space<vmem>>
        %dma_start3A_762 = arith.constant 0 : i32
        %dma_start3A_763 = tpu.memref_slice %arg5[%add3A_756, %dma_start3A_762] : memref<200x128xi32, #tpu.memory_space<vmem>> -> memref<1x128xi32, #tpu.memory_space<vmem>>
        %dma_start3A_764 = tpu.memref_squeeze %dma_start3A_763 : memref<1x128xi32, #tpu.memory_space<vmem>> -> memref<128xi32, #tpu.memory_space<vmem>>
        %dma_start3A_765 = arith.constant 0 : i32
        %dma_start3A_766 = arith.constant 0 : i32
        %dma_start3A_767 = tpu.memref_slice %arg3[%dma_start3A_765, %dma_start3A_766] : memref<1000000x32xf32, #tpu.memory_space<hbm>> -> memref<1000000x32xf32, #tpu.memory_space<hbm>>
        tpu.enqueue_indirect_dma source(%dma_start3A_767 : memref<1000000x32xf32, #tpu.memory_space<hbm>>) target(%dma_start3A_761 : memref<128x32xf32, #tpu.memory_space<vmem>>) offsets(%dma_start3A_764 : memref<128xi32, #tpu.memory_space<vmem>>) semaphore(%arg8 : memref<!tpu.dma_semaphore, #tpu.memory_space<semaphore_mem>>)
        %mul3A_768 = arith.constant 10 : i32
        %mul3A_769 = arith.muli %add3A_632, %mul3A_768 : i32
        %add3A_770 = arith.constant 9 : i32
        %add3A_771 = arith.addi %mul3A_769, %add3A_770 : i32
        %dma_start3A_772 = arith.constant 9 : i32
        %dma_start3A_773 = arith.constant 0 : i32
        %dma_start3A_774 = arith.constant 0 : i32
        %dma_start3A_775 = tpu.memref_slice %arg6[%dma_start3A_772, %dma_start3A_773, %dma_start3A_774] : memref<10x128x32xf32, #tpu.memory_space<vmem>> -> memref<1x128x32xf32, #tpu.memory_space<vmem>>
        %dma_start3A_776 = tpu.memref_squeeze %dma_start3A_775 : memref<1x128x32xf32, #tpu.memory_space<vmem>> -> memref<128x32xf32, #tpu.memory_space<vmem>>
        %dma_start3A_777 = arith.constant 0 : i32
        %dma_start3A_778 = tpu.memref_slice %arg5[%add3A_771, %dma_start3A_777] : memref<200x128xi32, #tpu.memory_space<vmem>> -> memref<1x128xi32, #tpu.memory_space<vmem>>
        %dma_start3A_779 = tpu.memref_squeeze %dma_start3A_778 : memref<1x128xi32, #tpu.memory_space<vmem>> -> memref<128xi32, #tpu.memory_space<vmem>>
        %dma_start3A_780 = arith.constant 0 : i32
        %dma_start3A_781 = arith.constant 0 : i32
        %dma_start3A_782 = tpu.memref_slice %arg3[%dma_start3A_780, %dma_start3A_781] : memref<1000000x32xf32, #tpu.memory_space<hbm>> -> memref<1000000x32xf32, #tpu.memory_space<hbm>>
        tpu.enqueue_indirect_dma source(%dma_start3A_782 : memref<1000000x32xf32, #tpu.memory_space<hbm>>) target(%dma_start3A_776 : memref<128x32xf32, #tpu.memory_space<vmem>>) offsets(%dma_start3A_779 : memref<128xi32, #tpu.memory_space<vmem>>) semaphore(%arg8 : memref<!tpu.dma_semaphore, #tpu.memory_space<semaphore_mem>>)
      } else {
      }
      %mul3A_463 = arith.constant 10 : i32
      %mul3A_464 = arith.muli %add3A_147, %mul3A_463 : i32
      %add3A_465 = arith.constant 0 : i32
      %add3A_466 = arith.addi %mul3A_464, %add3A_465 : i32
      %dma_wait3A_467 = arith.constant 0 : i32
      %dma_wait3A_468 = arith.constant 0 : i32
      %dma_wait3A_469 = arith.constant 0 : i32
      %dma_wait3A_470 = tpu.memref_slice %arg7[%dma_wait3A_467, %dma_wait3A_468, %dma_wait3A_469] : memref<10x128x32xf32, #tpu.memory_space<vmem>> -> memref<1x128x32xf32, #tpu.memory_space<vmem>>
      %dma_wait3A_471 = tpu.memref_squeeze %dma_wait3A_470 : memref<1x128x32xf32, #tpu.memory_space<vmem>> -> memref<128x32xf32, #tpu.memory_space<vmem>>
      %dma_wait3A_472 = arith.constant 0 : i32
      %dma_wait3A_473 = tpu.memref_slice %arg5[%add3A_466, %dma_wait3A_472] : memref<200x128xi32, #tpu.memory_space<vmem>> -> memref<1x128xi32, #tpu.memory_space<vmem>>
      %dma_wait3A_474 = tpu.memref_squeeze %dma_wait3A_473 : memref<1x128xi32, #tpu.memory_space<vmem>> -> memref<128xi32, #tpu.memory_space<vmem>>
      %dma_wait3A_475 = arith.constant 0 : i32
      %dma_wait3A_476 = arith.constant 0 : i32
      %dma_wait3A_477 = tpu.memref_slice %arg3[%dma_wait3A_475, %dma_wait3A_476] : memref<1000000x32xf32, #tpu.memory_space<hbm>> -> memref<1000000x32xf32, #tpu.memory_space<hbm>>
      tpu.wait_indirect_dma semaphore(%arg9 : memref<!tpu.dma_semaphore, #tpu.memory_space<semaphore_mem>>) src(%dma_wait3A_477 : memref<1000000x32xf32, #tpu.memory_space<hbm>>) dst(%dma_wait3A_471 : memref<128x32xf32, #tpu.memory_space<vmem>>)
      %mul3A_478 = arith.constant 10 : i32
      %mul3A_479 = arith.muli %add3A_147, %mul3A_478 : i32
      %add3A_480 = arith.constant 1 : i32
      %add3A_481 = arith.addi %mul3A_479, %add3A_480 : i32
      %dma_wait3A_482 = arith.constant 1 : i32
      %dma_wait3A_483 = arith.constant 0 : i32
      %dma_wait3A_484 = arith.constant 0 : i32
      %dma_wait3A_485 = tpu.memref_slice %arg7[%dma_wait3A_482, %dma_wait3A_483, %dma_wait3A_484] : memref<10x128x32xf32, #tpu.memory_space<vmem>> -> memref<1x128x32xf32, #tpu.memory_space<vmem>>
      %dma_wait3A_486 = tpu.memref_squeeze %dma_wait3A_485 : memref<1x128x32xf32, #tpu.memory_space<vmem>> -> memref<128x32xf32, #tpu.memory_space<vmem>>
      %dma_wait3A_487 = arith.constant 0 : i32
      %dma_wait3A_488 = tpu.memref_slice %arg5[%add3A_481, %dma_wait3A_487] : memref<200x128xi32, #tpu.memory_space<vmem>> -> memref<1x128xi32, #tpu.memory_space<vmem>>
      %dma_wait3A_489 = tpu.memref_squeeze %dma_wait3A_488 : memref<1x128xi32, #tpu.memory_space<vmem>> -> memref<128xi32, #tpu.memory_space<vmem>>
      %dma_wait3A_490 = arith.constant 0 : i32
      %dma_wait3A_491 = arith.constant 0 : i32
      %dma_wait3A_492 = tpu.memref_slice %arg3[%dma_wait3A_490, %dma_wait3A_491] : memref<1000000x32xf32, #tpu.memory_space<hbm>> -> memref<1000000x32xf32, #tpu.memory_space<hbm>>
      tpu.wait_indirect_dma semaphore(%arg9 : memref<!tpu.dma_semaphore, #tpu.memory_space<semaphore_mem>>) src(%dma_wait3A_492 : memref<1000000x32xf32, #tpu.memory_space<hbm>>) dst(%dma_wait3A_486 : memref<128x32xf32, #tpu.memory_space<vmem>>)
      %mul3A_493 = arith.constant 10 : i32
      %mul3A_494 = arith.muli %add3A_147, %mul3A_493 : i32
      %add3A_495 = arith.constant 2 : i32
      %add3A_496 = arith.addi %mul3A_494, %add3A_495 : i32
      %dma_wait3A_497 = arith.constant 2 : i32
      %dma_wait3A_498 = arith.constant 0 : i32
      %dma_wait3A_499 = arith.constant 0 : i32
      %dma_wait3A_500 = tpu.memref_slice %arg7[%dma_wait3A_497, %dma_wait3A_498, %dma_wait3A_499] : memref<10x128x32xf32, #tpu.memory_space<vmem>> -> memref<1x128x32xf32, #tpu.memory_space<vmem>>
      %dma_wait3A_501 = tpu.memref_squeeze %dma_wait3A_500 : memref<1x128x32xf32, #tpu.memory_space<vmem>> -> memref<128x32xf32, #tpu.memory_space<vmem>>
      %dma_wait3A_502 = arith.constant 0 : i32
      %dma_wait3A_503 = tpu.memref_slice %arg5[%add3A_496, %dma_wait3A_502] : memref<200x128xi32, #tpu.memory_space<vmem>> -> memref<1x128xi32, #tpu.memory_space<vmem>>
      %dma_wait3A_504 = tpu.memref_squeeze %dma_wait3A_503 : memref<1x128xi32, #tpu.memory_space<vmem>> -> memref<128xi32, #tpu.memory_space<vmem>>
      %dma_wait3A_505 = arith.constant 0 : i32
      %dma_wait3A_506 = arith.constant 0 : i32
      %dma_wait3A_507 = tpu.memref_slice %arg3[%dma_wait3A_505, %dma_wait3A_506] : memref<1000000x32xf32, #tpu.memory_space<hbm>> -> memref<1000000x32xf32, #tpu.memory_space<hbm>>
      tpu.wait_indirect_dma semaphore(%arg9 : memref<!tpu.dma_semaphore, #tpu.memory_space<semaphore_mem>>) src(%dma_wait3A_507 : memref<1000000x32xf32, #tpu.memory_space<hbm>>) dst(%dma_wait3A_501 : memref<128x32xf32, #tpu.memory_space<vmem>>)
      %mul3A_508 = arith.constant 10 : i32
      %mul3A_509 = arith.muli %add3A_147, %mul3A_508 : i32
      %add3A_510 = arith.constant 3 : i32
      %add3A_511 = arith.addi %mul3A_509, %add3A_510 : i32
      %dma_wait3A_512 = arith.constant 3 : i32
      %dma_wait3A_513 = arith.constant 0 : i32
      %dma_wait3A_514 = arith.constant 0 : i32
      %dma_wait3A_515 = tpu.memref_slice %arg7[%dma_wait3A_512, %dma_wait3A_513, %dma_wait3A_514] : memref<10x128x32xf32, #tpu.memory_space<vmem>> -> memref<1x128x32xf32, #tpu.memory_space<vmem>>
      %dma_wait3A_516 = tpu.memref_squeeze %dma_wait3A_515 : memref<1x128x32xf32, #tpu.memory_space<vmem>> -> memref<128x32xf32, #tpu.memory_space<vmem>>
      %dma_wait3A_517 = arith.constant 0 : i32
      %dma_wait3A_518 = tpu.memref_slice %arg5[%add3A_511, %dma_wait3A_517] : memref<200x128xi32, #tpu.memory_space<vmem>> -> memref<1x128xi32, #tpu.memory_space<vmem>>
      %dma_wait3A_519 = tpu.memref_squeeze %dma_wait3A_518 : memref<1x128xi32, #tpu.memory_space<vmem>> -> memref<128xi32, #tpu.memory_space<vmem>>
      %dma_wait3A_520 = arith.constant 0 : i32
      %dma_wait3A_521 = arith.constant 0 : i32
      %dma_wait3A_522 = tpu.memref_slice %arg3[%dma_wait3A_520, %dma_wait3A_521] : memref<1000000x32xf32, #tpu.memory_space<hbm>> -> memref<1000000x32xf32, #tpu.memory_space<hbm>>
      tpu.wait_indirect_dma semaphore(%arg9 : memref<!tpu.dma_semaphore, #tpu.memory_space<semaphore_mem>>) src(%dma_wait3A_522 : memref<1000000x32xf32, #tpu.memory_space<hbm>>) dst(%dma_wait3A_516 : memref<128x32xf32, #tpu.memory_space<vmem>>)
      %mul3A_523 = arith.constant 10 : i32
      %mul3A_524 = arith.muli %add3A_147, %mul3A_523 : i32
      %add3A_525 = arith.constant 4 : i32
      %add3A_526 = arith.addi %mul3A_524, %add3A_525 : i32
      %dma_wait3A_527 = arith.constant 4 : i32
      %dma_wait3A_528 = arith.constant 0 : i32
      %dma_wait3A_529 = arith.constant 0 : i32
      %dma_wait3A_530 = tpu.memref_slice %arg7[%dma_wait3A_527, %dma_wait3A_528, %dma_wait3A_529] : memref<10x128x32xf32, #tpu.memory_space<vmem>> -> memref<1x128x32xf32, #tpu.memory_space<vmem>>
      %dma_wait3A_531 = tpu.memref_squeeze %dma_wait3A_530 : memref<1x128x32xf32, #tpu.memory_space<vmem>> -> memref<128x32xf32, #tpu.memory_space<vmem>>
      %dma_wait3A_532 = arith.constant 0 : i32
      %dma_wait3A_533 = tpu.memref_slice %arg5[%add3A_526, %dma_wait3A_532] : memref<200x128xi32, #tpu.memory_space<vmem>> -> memref<1x128xi32, #tpu.memory_space<vmem>>
      %dma_wait3A_534 = tpu.memref_squeeze %dma_wait3A_533 : memref<1x128xi32, #tpu.memory_space<vmem>> -> memref<128xi32, #tpu.memory_space<vmem>>
      %dma_wait3A_535 = arith.constant 0 : i32
      %dma_wait3A_536 = arith.constant 0 : i32
      %dma_wait3A_537 = tpu.memref_slice %arg3[%dma_wait3A_535, %dma_wait3A_536] : memref<1000000x32xf32, #tpu.memory_space<hbm>> -> memref<1000000x32xf32, #tpu.memory_space<hbm>>
      tpu.wait_indirect_dma semaphore(%arg9 : memref<!tpu.dma_semaphore, #tpu.memory_space<semaphore_mem>>) src(%dma_wait3A_537 : memref<1000000x32xf32, #tpu.memory_space<hbm>>) dst(%dma_wait3A_531 : memref<128x32xf32, #tpu.memory_space<vmem>>)
      %mul3A_538 = arith.constant 10 : i32
      %mul3A_539 = arith.muli %add3A_147, %mul3A_538 : i32
      %add3A_540 = arith.constant 5 : i32
      %add3A_541 = arith.addi %mul3A_539, %add3A_540 : i32
      %dma_wait3A_542 = arith.constant 5 : i32
      %dma_wait3A_543 = arith.constant 0 : i32
      %dma_wait3A_544 = arith.constant 0 : i32
      %dma_wait3A_545 = tpu.memref_slice %arg7[%dma_wait3A_542, %dma_wait3A_543, %dma_wait3A_544] : memref<10x128x32xf32, #tpu.memory_space<vmem>> -> memref<1x128x32xf32, #tpu.memory_space<vmem>>
      %dma_wait3A_546 = tpu.memref_squeeze %dma_wait3A_545 : memref<1x128x32xf32, #tpu.memory_space<vmem>> -> memref<128x32xf32, #tpu.memory_space<vmem>>
      %dma_wait3A_547 = arith.constant 0 : i32
      %dma_wait3A_548 = tpu.memref_slice %arg5[%add3A_541, %dma_wait3A_547] : memref<200x128xi32, #tpu.memory_space<vmem>> -> memref<1x128xi32, #tpu.memory_space<vmem>>
      %dma_wait3A_549 = tpu.memref_squeeze %dma_wait3A_548 : memref<1x128xi32, #tpu.memory_space<vmem>> -> memref<128xi32, #tpu.memory_space<vmem>>
      %dma_wait3A_550 = arith.constant 0 : i32
      %dma_wait3A_551 = arith.constant 0 : i32
      %dma_wait3A_552 = tpu.memref_slice %arg3[%dma_wait3A_550, %dma_wait3A_551] : memref<1000000x32xf32, #tpu.memory_space<hbm>> -> memref<1000000x32xf32, #tpu.memory_space<hbm>>
      tpu.wait_indirect_dma semaphore(%arg9 : memref<!tpu.dma_semaphore, #tpu.memory_space<semaphore_mem>>) src(%dma_wait3A_552 : memref<1000000x32xf32, #tpu.memory_space<hbm>>) dst(%dma_wait3A_546 : memref<128x32xf32, #tpu.memory_space<vmem>>)
      %mul3A_553 = arith.constant 10 : i32
      %mul3A_554 = arith.muli %add3A_147, %mul3A_553 : i32
      %add3A_555 = arith.constant 6 : i32
      %add3A_556 = arith.addi %mul3A_554, %add3A_555 : i32
      %dma_wait3A_557 = arith.constant 6 : i32
      %dma_wait3A_558 = arith.constant 0 : i32
      %dma_wait3A_559 = arith.constant 0 : i32
      %dma_wait3A_560 = tpu.memref_slice %arg7[%dma_wait3A_557, %dma_wait3A_558, %dma_wait3A_559] : memref<10x128x32xf32, #tpu.memory_space<vmem>> -> memref<1x128x32xf32, #tpu.memory_space<vmem>>
      %dma_wait3A_561 = tpu.memref_squeeze %dma_wait3A_560 : memref<1x128x32xf32, #tpu.memory_space<vmem>> -> memref<128x32xf32, #tpu.memory_space<vmem>>
      %dma_wait3A_562 = arith.constant 0 : i32
      %dma_wait3A_563 = tpu.memref_slice %arg5[%add3A_556, %dma_wait3A_562] : memref<200x128xi32, #tpu.memory_space<vmem>> -> memref<1x128xi32, #tpu.memory_space<vmem>>
      %dma_wait3A_564 = tpu.memref_squeeze %dma_wait3A_563 : memref<1x128xi32, #tpu.memory_space<vmem>> -> memref<128xi32, #tpu.memory_space<vmem>>
      %dma_wait3A_565 = arith.constant 0 : i32
      %dma_wait3A_566 = arith.constant 0 : i32
      %dma_wait3A_567 = tpu.memref_slice %arg3[%dma_wait3A_565, %dma_wait3A_566] : memref<1000000x32xf32, #tpu.memory_space<hbm>> -> memref<1000000x32xf32, #tpu.memory_space<hbm>>
      tpu.wait_indirect_dma semaphore(%arg9 : memref<!tpu.dma_semaphore, #tpu.memory_space<semaphore_mem>>) src(%dma_wait3A_567 : memref<1000000x32xf32, #tpu.memory_space<hbm>>) dst(%dma_wait3A_561 : memref<128x32xf32, #tpu.memory_space<vmem>>)
      %mul3A_568 = arith.constant 10 : i32
      %mul3A_569 = arith.muli %add3A_147, %mul3A_568 : i32
      %add3A_570 = arith.constant 7 : i32
      %add3A_571 = arith.addi %mul3A_569, %add3A_570 : i32
      %dma_wait3A_572 = arith.constant 7 : i32
      %dma_wait3A_573 = arith.constant 0 : i32
      %dma_wait3A_574 = arith.constant 0 : i32
      %dma_wait3A_575 = tpu.memref_slice %arg7[%dma_wait3A_572, %dma_wait3A_573, %dma_wait3A_574] : memref<10x128x32xf32, #tpu.memory_space<vmem>> -> memref<1x128x32xf32, #tpu.memory_space<vmem>>
      %dma_wait3A_576 = tpu.memref_squeeze %dma_wait3A_575 : memref<1x128x32xf32, #tpu.memory_space<vmem>> -> memref<128x32xf32, #tpu.memory_space<vmem>>
      %dma_wait3A_577 = arith.constant 0 : i32
      %dma_wait3A_578 = tpu.memref_slice %arg5[%add3A_571, %dma_wait3A_577] : memref<200x128xi32, #tpu.memory_space<vmem>> -> memref<1x128xi32, #tpu.memory_space<vmem>>
      %dma_wait3A_579 = tpu.memref_squeeze %dma_wait3A_578 : memref<1x128xi32, #tpu.memory_space<vmem>> -> memref<128xi32, #tpu.memory_space<vmem>>
      %dma_wait3A_580 = arith.constant 0 : i32
      %dma_wait3A_581 = arith.constant 0 : i32
      %dma_wait3A_582 = tpu.memref_slice %arg3[%dma_wait3A_580, %dma_wait3A_581] : memref<1000000x32xf32, #tpu.memory_space<hbm>> -> memref<1000000x32xf32, #tpu.memory_space<hbm>>
      tpu.wait_indirect_dma semaphore(%arg9 : memref<!tpu.dma_semaphore, #tpu.memory_space<semaphore_mem>>) src(%dma_wait3A_582 : memref<1000000x32xf32, #tpu.memory_space<hbm>>) dst(%dma_wait3A_576 : memref<128x32xf32, #tpu.memory_space<vmem>>)
      %mul3A_583 = arith.constant 10 : i32
      %mul3A_584 = arith.muli %add3A_147, %mul3A_583 : i32
      %add3A_585 = arith.constant 8 : i32
      %add3A_586 = arith.addi %mul3A_584, %add3A_585 : i32
      %dma_wait3A_587 = arith.constant 8 : i32
      %dma_wait3A_588 = arith.constant 0 : i32
      %dma_wait3A_589 = arith.constant 0 : i32
      %dma_wait3A_590 = tpu.memref_slice %arg7[%dma_wait3A_587, %dma_wait3A_588, %dma_wait3A_589] : memref<10x128x32xf32, #tpu.memory_space<vmem>> -> memref<1x128x32xf32, #tpu.memory_space<vmem>>
      %dma_wait3A_591 = tpu.memref_squeeze %dma_wait3A_590 : memref<1x128x32xf32, #tpu.memory_space<vmem>> -> memref<128x32xf32, #tpu.memory_space<vmem>>
      %dma_wait3A_592 = arith.constant 0 : i32
      %dma_wait3A_593 = tpu.memref_slice %arg5[%add3A_586, %dma_wait3A_592] : memref<200x128xi32, #tpu.memory_space<vmem>> -> memref<1x128xi32, #tpu.memory_space<vmem>>
      %dma_wait3A_594 = tpu.memref_squeeze %dma_wait3A_593 : memref<1x128xi32, #tpu.memory_space<vmem>> -> memref<128xi32, #tpu.memory_space<vmem>>
      %dma_wait3A_595 = arith.constant 0 : i32
      %dma_wait3A_596 = arith.constant 0 : i32
      %dma_wait3A_597 = tpu.memref_slice %arg3[%dma_wait3A_595, %dma_wait3A_596] : memref<1000000x32xf32, #tpu.memory_space<hbm>> -> memref<1000000x32xf32, #tpu.memory_space<hbm>>
      tpu.wait_indirect_dma semaphore(%arg9 : memref<!tpu.dma_semaphore, #tpu.memory_space<semaphore_mem>>) src(%dma_wait3A_597 : memref<1000000x32xf32, #tpu.memory_space<hbm>>) dst(%dma_wait3A_591 : memref<128x32xf32, #tpu.memory_space<vmem>>)
      %mul3A_598 = arith.constant 10 : i32
      %mul3A_599 = arith.muli %add3A_147, %mul3A_598 : i32
      %add3A_600 = arith.constant 9 : i32
      %add3A_601 = arith.addi %mul3A_599, %add3A_600 : i32
      %dma_wait3A_602 = arith.constant 9 : i32
      %dma_wait3A_603 = arith.constant 0 : i32
      %dma_wait3A_604 = arith.constant 0 : i32
      %dma_wait3A_605 = tpu.memref_slice %arg7[%dma_wait3A_602, %dma_wait3A_603, %dma_wait3A_604] : memref<10x128x32xf32, #tpu.memory_space<vmem>> -> memref<1x128x32xf32, #tpu.memory_space<vmem>>
      %dma_wait3A_606 = tpu.memref_squeeze %dma_wait3A_605 : memref<1x128x32xf32, #tpu.memory_space<vmem>> -> memref<128x32xf32, #tpu.memory_space<vmem>>
      %dma_wait3A_607 = arith.constant 0 : i32
      %dma_wait3A_608 = tpu.memref_slice %arg5[%add3A_601, %dma_wait3A_607] : memref<200x128xi32, #tpu.memory_space<vmem>> -> memref<1x128xi32, #tpu.memory_space<vmem>>
      %dma_wait3A_609 = tpu.memref_squeeze %dma_wait3A_608 : memref<1x128xi32, #tpu.memory_space<vmem>> -> memref<128xi32, #tpu.memory_space<vmem>>
      %dma_wait3A_610 = arith.constant 0 : i32
      %dma_wait3A_611 = arith.constant 0 : i32
      %dma_wait3A_612 = tpu.memref_slice %arg3[%dma_wait3A_610, %dma_wait3A_611] : memref<1000000x32xf32, #tpu.memory_space<hbm>> -> memref<1000000x32xf32, #tpu.memory_space<hbm>>
      tpu.wait_indirect_dma semaphore(%arg9 : memref<!tpu.dma_semaphore, #tpu.memory_space<semaphore_mem>>) src(%dma_wait3A_612 : memref<1000000x32xf32, #tpu.memory_space<hbm>>) dst(%dma_wait3A_606 : memref<128x32xf32, #tpu.memory_space<vmem>>)
      %mul3A_613 = arith.constant 10 : i32
      %mul3A_614 = arith.muli %add3A_147, %mul3A_613 : i32
      %add3A_615 = arith.addi %mul3A_2, %mul3A_614 : i32
      %dma_start3A_616 = arith.constant 0 : i32
      %dma_start3A_617 = arith.constant 0 : i32
      %dma_start3A_618 = tpu.memref_slice %arg4[%add3A_615, %dma_start3A_616, %dma_start3A_617] : memref<6400x128x32xf32, #tpu.memory_space<hbm>> -> memref<10x128x32xf32, #tpu.memory_space<hbm>>
      %dma_start3A_619 = arith.constant 0 : i32
      %dma_start3A_620 = arith.constant 0 : i32
      %dma_start3A_621 = tpu.memref_slice %arg4[%add3A_615, %dma_start3A_619, %dma_start3A_620] : memref<6400x128x32xf32, #tpu.memory_space<hbm>> -> memref<10x128x32xf32, #tpu.memory_space<hbm>>
      tpu.enqueue_dma source(%arg7 : memref<10x128x32xf32, #tpu.memory_space<vmem>>) target(%dma_start3A_621 : memref<10x128x32xf32, #tpu.memory_space<hbm>>) target_semaphore(%arg11 : memref<!tpu.dma_semaphore, #tpu.memory_space<semaphore_mem>>)
    }
    %scan3A_125 = arith.constant 10 : i32
    %add3A_126 = arith.constant 180 : i32
    %add3A_127 = arith.addi %mul3A_2, %add3A_126 : i32
    %dma_wait3A = arith.constant 0 : i32
    %dma_wait3A_128 = arith.constant 0 : i32
    %dma_wait3A_129 = tpu.memref_slice %arg4[%add3A_127, %dma_wait3A, %dma_wait3A_128] : memref<6400x128x32xf32, #tpu.memory_space<hbm>> -> memref<10x128x32xf32, #tpu.memory_space<hbm>>
    %dma_wait3A_130 = arith.constant 0 : i32
    %dma_wait3A_131 = arith.constant 0 : i32
    %dma_wait3A_132 = tpu.memref_slice %arg4[%add3A_127, %dma_wait3A_130, %dma_wait3A_131] : memref<6400x128x32xf32, #tpu.memory_space<hbm>> -> memref<10x128x32xf32, #tpu.memory_space<hbm>>
    tpu.wait_dma2 semaphore(%arg10 : memref<!tpu.dma_semaphore, #tpu.memory_space<semaphore_mem>>) src(%arg6 : memref<10x128x32xf32, #tpu.memory_space<vmem>>) dst(%dma_wait3A_132 : memref<10x128x32xf32, #tpu.memory_space<hbm>>)
    %add3A_133 = arith.constant 190 : i32
    %add3A_134 = arith.addi %mul3A_2, %add3A_133 : i32
    %dma_wait3A_135 = arith.constant 0 : i32
    %dma_wait3A_136 = arith.constant 0 : i32
    %dma_wait3A_137 = tpu.memref_slice %arg4[%add3A_134, %dma_wait3A_135, %dma_wait3A_136] : memref<6400x128x32xf32, #tpu.memory_space<hbm>> -> memref<10x128x32xf32, #tpu.memory_space<hbm>>
    %dma_wait3A_138 = arith.constant 0 : i32
    %dma_wait3A_139 = arith.constant 0 : i32
    %dma_wait3A_140 = tpu.memref_slice %arg4[%add3A_134, %dma_wait3A_138, %dma_wait3A_139] : memref<6400x128x32xf32, #tpu.memory_space<hbm>> -> memref<10x128x32xf32, #tpu.memory_space<hbm>>
    tpu.wait_dma2 semaphore(%arg11 : memref<!tpu.dma_semaphore, #tpu.memory_space<semaphore_mem>>) src(%arg7 : memref<10x128x32xf32, #tpu.memory_space<vmem>>) dst(%dma_wait3A_140 : memref<10x128x32xf32, #tpu.memory_space<hbm>>)
    return
  }
}

</mosaic_0001>

<sc_bundles>
// kernel: kernel.3.cloned.1.call-start
scs
__scs_entry_jumppad:
0x0: {  	(pc) =	sbr.rel $0x88, $3  }
0x1: {  	(tag) =	ssettag $0x0;
	lr =	simm.s32 $0x1  }
0x2: {  	[smem:$0x3F9F] =	sst lr;
	_ =	strace $0xD0000000  }
0x3: {  	_ = 	snop  }
0x4: {  	_ = 	snop  }
0x5: {  	_ = 	snop  }
0x6: {  	_ = 	snop  }
0x7: {  	_ = 	snop  }
__scs_overlays_trampoline_lowered:
0x8: {  	[smem:$0x3FAE] =	sst s0  }
0x9: {  	[smem:$0x3FAF] =	sst s1  }
0xa: {  	[smem:$0x3FB0] =	sst s2  }
0xb: {  	[smem:$0x3FB1] =	sst s3  }
0xc: {  	[smem:$0x3FB2] =	sst s4  }
0xd: {  	[smem:$0x3FB3] =	sst s5  }
0xe: {  	[smem:$0x3FB4] =	sst s6  }
0xf: {  	[smem:$0x3FB5] =	sst s7  }
0x10: {  	[smem:$0x3FB6] =	sst s8  }
0x11: {  	[smem:$0x3FB7] =	sst s9;
	s0 =	simm.s32 @!p0 $0x0  }
0x12: {  	s1 =	sld [smem:$0x3F9D];
	s0 =	simm.s32 @p0 $0x1  }
0x13: {  	[smem:$0x3FB8] =	sst s0;
	s0 =	simm.s32 @!p1 $0x0  }
0x14: {  	s2 =	sld [smem:$0x3F9C];
	s0 =	simm.s32 @p1 $0x1  }
0x15: {  	[smem:$0x3FB9] =	sst s0;
	s0 =	simm.s32 @!p2 $0x0  }
0x16: {  	s3 =	sld [smem:$0x3FDB];
	s0 =	simm.s32 @p2 $0x1  }
0x17: {  	s4 =	simm.s32 $0x1BF5;
	[smem:$0x3FBB] =	sst s0  }
0x18: {  	s0 =	sld [smem:$0x3F9E];
	_ =	swait.ge [sflag:s4], $0x0  }
0x19: {  	s7 =	sld [smem:$0x3F9F]  }
0x1a: {  	s8 =	sadd.s32 $0xFFFFE003, lr  }
0x1b: {  	s9 =	sadd.s32 $0xFFFFFEF7, lr;
	s5 =	simm.s32 $0xFFFFFFFF;
	p2 =	slt.u32 s8, $0xFFFFF086  }
0x1c: {  	p1 =	slt.u32 s9, $0xF7A;
	s5 =	simm.s32 @!p2 $0x0  }
0x1d: {  	s5 =	simm.s32 @p1 $0x1;
	p0 =	seq.s32 s7, s2  }
0x1e: {  	s7 =	smul.u32 @!p0 $0xF7A, s2;
	p2 =	seq.s32 @!p0 s5, $0x0  }
0x1f: {  	s9 =	smul.u32 $0xF7A, s1;
	s8 =	simm.s32 @!p0 $0x1BF5;
	p2 =	por !p2, p0  }
0x20: {  	[sflag:s8] =	ssyncset.s32 @!p0 $0xFFFFF086;
	s6 =	sadd.s32 @!p0 s3, s7;
	s7 =	simm.s32 @!p0 $0x108  }
0x21: {  	s3 =	sadd.s32 s3, s9;
	s6 =	sadd.s32 @!p0 $0x88, s6;
	s7 =	simm.s32 @p2 $0x1082  }
0x22: {  	[simem:s7], [sflag:s8] =	dma.local @!p0 [hbm:s6], $0xF7A  }
0x23: {  	s9 =	sor.u32 $0xD0000000, s2;
	s6 =	simm.s32 $0x108;
	_ =	swait.ge @!p0 [sflag:s8], $0x0  }
0x24: {  	s3 =	sadd.s32 $0x88, s3;
	s6 =	simm.s32 @!p1 $0x1082;
	[sflag:s4] =	ssyncset.s32 $0xFFFFF086  }
0x25: {  	[simem:s6], [sflag:s4] =	dma.local [hbm:s3], $0xF7A  }
0x26: {  	[smem:$0x3F9F] =	sst s1;
	(tag) =	ssettag s2;
	_ =	strace s9  }
0x27: {  	s1 =	sld [smem:$0x3FAF]  }
0x28: {  	s2 =	sld [smem:$0x3FB0]  }
0x29: {  	s4 =	sld [smem:$0x3FB2]  }
0x2a: {  	p0 =	seq.s32 s5, $0x0;
	s5 =	sld [smem:$0x3FB3]  }
0x2b: {  	s6 =	sld [smem:$0x3FB4]  }
0x2c: {  	s7 =	sld [smem:$0x3FB5]  }
0x2d: {  	s3 =	simm.s32 $0x108;
	s8 =	sld [smem:$0x3FB6]  }
0x2e: {  	s3 =	simm.s32 @!p0 $0x1082;
	s9 =	sld [smem:$0x3FB7]  }
0x2f: {  	lr =	sadd.s32 s0, s3;
	s0 =	sld [smem:$0x3FAE]  }
0x30: {  	s3 =	sld [smem:$0x3FB1]  }
0x31: {  	[smem:$0x3FBA] =	sst s10  }
0x32: {  	s10 =	sld [smem:$0x3FB8];
	_ =	sdelay $0x3  }
0x33: {  	p0 =	seq.s32 s10, $0x1;
	s10 =	sld [smem:$0x3FBA];
	_ =	sdelay $0x3  }
0x34: {  	[smem:$0x3FBA] =	sst s10  }
0x35: {  	s10 =	sld [smem:$0x3FB9];
	_ =	sdelay $0x3  }
0x36: {  	p1 =	seq.s32 s10, $0x1;
	s10 =	sld [smem:$0x3FBA];
	_ =	sdelay $0x3  }
0x37: {  	[smem:$0x3FBA] =	sst s10  }
0x38: {  	s10 =	sld [smem:$0x3FBB]  }
0x39: {  	_ = 	snop;
	(pc) =	sbr.ind lr, $3  }
0x3a: {  	_ = 	snop  }
0x3b: {  	_ = 	snop  }
0x3c: {  	p2 =	seq.s32 s10, $0x1;
	s10 =	sld [smem:$0x3FBA]  }
0x3d: {  	_ =	shalt  }
0x3e: {  	_ =	shalt  }
0x3f: {  	_ =	shalt  }
0x40: {  	_ =	shalt  }
0x41: {  	_ =	shalt  }
0x42: {  	_ =	shalt  }
0x43: {  	_ =	shalt  }
0x44: {  	_ =	shalt  }
0x45: {  	_ =	shalt  }
0x46: {  	_ =	shalt  }
0x47: {  	_ =	shalt  }
0x48: {  	_ =	shalt  }
0x49: {  	_ =	shalt  }
0x4a: {  	_ =	shalt  }
0x4b: {  	_ =	shalt  }
0x4c: {  	_ =	shalt  }
0x4d: {  	_ =	shalt  }
0x4e: {  	_ =	shalt  }
0x4f: {  	_ =	shalt  }
0x50: {  	_ =	shalt  }
0x51: {  	_ =	shalt  }
0x52: {  	_ =	shalt  }
0x53: {  	_ =	shalt  }
0x54: {  	_ =	shalt  }
0x55: {  	_ =	shalt  }
0x56: {  	_ =	shalt  }
0x57: {  	_ =	shalt  }
0x58: {  	_ =	shalt  }
0x59: {  	_ =	shalt  }
0x5a: {  	_ =	shalt  }
0x5b: {  	_ =	shalt  }
0x5c: {  	_ =	shalt  }
0x5d: {  	_ =	shalt  }
0x5e: {  	_ =	shalt  }
0x5f: {  	_ =	shalt  }
0x60: {  	_ =	shalt  }
0x61: {  	_ =	shalt  }
0x62: {  	_ =	shalt  }
0x63: {  	_ =	shalt  }
0x64: {  	_ =	shalt  }
0x65: {  	_ =	shalt  }
0x66: {  	_ =	shalt  }
0x67: {  	_ =	shalt  }
0x68: {  	_ =	shalt  }
0x69: {  	_ =	shalt  }
0x6a: {  	_ =	shalt  }
0x6b: {  	_ =	shalt  }
0x6c: {  	_ =	shalt  }
0x6d: {  	_ =	shalt  }
0x6e: {  	_ =	shalt  }
0x6f: {  	_ =	shalt  }
0x70: {  	_ =	shalt  }
0x71: {  	_ =	shalt  }
0x72: {  	_ =	shalt  }
0x73: {  	_ =	shalt  }
0x74: {  	_ =	shalt  }
0x75: {  	_ =	shalt  }
0x76: {  	_ =	shalt  }
0x77: {  	_ =	shalt  }
0x78: {  	_ =	shalt  }
0x79: {  	_ =	shalt  }
0x7a: {  	_ =	shalt  }
0x7b: {  	_ =	shalt  }
0x7c: {  	_ =	shalt  }
0x7d: {  	_ =	shalt  }
0x7e: {  	_ =	shalt  }
0x7f: {  	_ =	shalt  }
0x80: {  	_ =	shalt  }
0x81: {  	_ =	shalt  }
0x82: {  	_ =	shalt  }
0x83: {  	_ =	shalt  }
0x84: {  	_ =	shalt  }
0x85: {  	_ =	shalt  }
0x86: {  	_ =	shalt  }
0x87: {  	_ =	shalt  }
.Lfunc_end0:
.L_simem_size_0:
called_computation.1_lowered:
.L_overlay_start_0:
0x88: {  	s2 =	sld [smem:$0x3FD9]  }
0x89: {  	s3 =	sld [smem:$0x3FFE];
	_ =	sdelay $0x1  }
0x8a: {  	s1 =	srdreg.scid  }
0x8b: {  	s0 =	sand.u32 $0x1, s1  }
0x8c: {  	s17 =	sshll.u32 s0, $0xA;
	s2 =	sadd.s32 s3, s2  }
0x8d: {  	s2 =	sadd.s32 s2, s17  }
0x8e: {  	[smem:$0x3FC6] =	sst s2  }
0x8f: {  	_ = 	snop  }
0x90: {  	s2 =	sld [smem:$0x3FD0];
	(tm) =	ssettm $0x1  }
0x91: {  	s18 =	sld [smem:$0x3FFB];
	_ =	sdelay $0x3  }
0x92: {  	_ =	strace s18  }
0x93: {  	s3 =	sld [smem:$0x3FFC];
	_ =	sdelay $0x3  }
0x94: {  	_ =	strace s3  }
0x95: {  	s3 =	sld [smem:$0x3FFD];
	_ =	sdelay $0x3  }
0x96: {  	_ =	strace s3  }
0x97: {  	_ =	strace $0x8FFFFFFF  }
0x98: {  	s19 =	sld [smem:$0x3FDB];
	_ =	sdelay $0x1  }
0x99: {  	s4 =	simm.s32 $_scs_section_size  }
0x9a: {  	s5 =	simm.s32 $_size__tile_overlayer_lowered;
	s6 =	simm.s32 $_tile_overlayer_lowered  }
0x9b: {  	s22 =	simm.s32 $0x1BFF;
	s21 =	sshll.u32 s6, $0x1;
	s3 =	sadd.s32 s4, s19  }
0x9c: {  	s7 =	simm.s32 $0x0;
	s20 =	sshll.u32 s5, $0x1;
	s5 =	sadd.s32 s21, s3  }
0x9d: {  	[timem:s7], [sflag:s22] =	dma.local [hbm:s5], s20  }
0x9e: {  	_ =	swait.ge [sflag:s22], s20  }
0x9f: {  	s4 =	ssub.s32 $0x0, s20;
	[sflag:s22] =	ssyncset.done $0x0  }
0xa0: {  	[sflag:s22] =	ssyncadd.s32 s4;
	_ =	sdelay $0x1  }
0xa1: {  	s23 =	simm.s32 $0x1B8B  }
0xa2: {  	_ =	swait.ge [sflag:s23], $0x1  }
0xa3: {  	[sflag:s23] =	ssyncset.done $0x0  }
0xa4: {  	s25 =	simm.s32 $0x1B8E;
	s24 =	sld [smem:$0x3FFE];
	[sflag:s23] =	ssyncadd.s32 $0xFFFFFFFF  }
0xa5: {  	s26 =	simm.s32 $execute0_lowered;
	[smem:$0x3FD2] =	sst s25  }
0xa6: {  	s5 =	sshll.u32 s26, $0x1;
	_ =	strace $0x80000046;
	[dreg:$0x1] =	wrdreg $0xFFFFFFFF  }
0xa7: {  	s28 =	simm.s32 $_size_execute0_lowered;
	s3 =	sadd.s32 s3, s5;
	[dreg:$0x0] =	wrdreg $0x0  }
0xa8: {  	s5 =	sshll.u32 s28, $0x1;
	[dreg:$0x2] =	wrdreg s3  }
0xa9: {  	[dreg:$0x3] =	wrdreg s5  }
0xaa: {  	[dreg:$0x4] =	wrdreg $0xC0  }
0xab: {  	_ =	task [dreg:s7], $0x5FFFF  }
0xac: {  	[dreg:$0x1] =	wrdreg $0xFFFFFFFF  }
0xad: {  	[dreg:$0x0] =	wrdreg $0x60  }
0xae: {  	[dreg:$0x2] =	wrdreg s24  }
0xaf: {  	[dreg:$0x3] =	wrdreg s2  }
0xb0: {  	[dreg:$0x4] =	wrdreg $0x9  }
0xb1: {  	_ =	task.clear_ibuf [dreg:s7], $0x5FFFF;
	_ =	strace $0x90000046  }
0xb2: {  	s29 =	simm.s32 $0x9;
	_ =	strace $0x80000048  }
0xb3: {  	_ =	swait.ge [sflag:s29], $0x1  }
0xb4: {  	[sflag:s29] =	ssyncadd.s32 $0xFFFFFFFF  }
0xb5: {  	_ =	strace $0x90000048  }
0xb6: {  	_ =	sfence  }
0xb7: {  	s30 =	sld [smem:$0x0];
	_ =	sdelay $0x2  }
0xb8: {  	s31 =	sshll.u32 s1, $0xD;
	s1 =	sshrl.u32 s1, $0x2  }
0xb9: {  	s3 =	sand.u32 $0x4000, s31;
	s1 =	sadd.s32 s1, s30  }
0xba: {  	s0 =	sor.u32 s3, s0;
	s1 =	sshll.u32 s1, $0x11  }
0xbb: {  	s0 =	sor.u32 s1, s0  }
0xbc: {  	s0 =	sadd.s32 $0x8F2B, s0  }
0xbd: {  	[sflag:s0] =	ssyncadd.remote.s32 $0x1  }
0xbe: {  	_ =	sfence.sel $0xFFFF  }
0xbf: {  	[dreg:$0x0] =	wrdreg $0xFFFFFFFF;
	(pc) =	sbr.abs _section_cstart, $3  }
0xc0: {  	[dreg:$0x1] =	wrdreg $0xFFFFFFFF  }
0xc1: {  	_ =	task.clear_ibuf [dreg:s7], $0x2FFFF;
	_ =	strace $0x9FFFFFFF  }
0xc2: {  	(tm) =	ssettm $0x7FFFFFFF  }
0xc3: {  	_ =	shalt  }
tec
execute0_lowered:
.L_overlay_start_1:
0x0: {  	(tag) =	ssettag $0x1  }
0x1: {  	s0 =	srdreg.scid;
	s1 =	rddreg [dreg:$0x0]  }
0x2: {  	s8 =	stileid.u32;
	s5 =	rddreg [dreg:$0x1];
	s18 =	simm.s32 $0x11400  }
0x3: {  	s19 =	simm.s32 $0x12400;
	s20 =	simm.s32 $0x13400;
	s21 =	simm.s32 $0x14400  }
0x4: {  	s22 =	simm.s32 $0x15400;
	s23 =	simm.s32 $0x16400;
	s24 =	simm.s32 $0x17400  }
0x5: {  	s25 =	simm.s32 $0x18400;
	s26 =	simm.s32 $0x19400;
	s28 =	simm.s32 $0x1  }
0x6: {  	s29 =	simm.s32 $0x2;
	s0 =	sand.u32 $0x1, s0;
	s2 =	sshll.u32 s8, $0x1  }
0x7: {  	s4 =	smul.u32 $0x190, s8;
	s3 =	sor.u32 s0, s2;
	s2 =	simm.s32 $0x0  }
0x8: {  	s30 =	simm.s32 $0x3;
	s8 =	smul.u32 $0x32000, s8;
	[smem:$0x7FF] =	sst s2  }
0x9: {  	s7 =	smul.u32 $0xC8, s0;
	_ =	strace $0x80000047;
	[dreg:$0x5] =	wrdreg s18  }
0xa: {  	s13 =	ssub.s32 $0x2, s0;
	s0 =	smul.u32 $0x19000, s0;
	[dreg:$0x6] =	wrdreg s19  }
0xb: {  	s31 =	simm.s32 $0x4;
	s3 =	smul.u32 $0xC80, s3;
	[dreg:$0x7] =	wrdreg s20  }
0xc: {  	s9 =	sshrl.u32 s13, $0x1;
	s14 =	sadd.s32 s8, s5;
	[dreg:$0x8] =	wrdreg s21  }
0xd: {  	s8 =	simm.s32 $0x6400;
	s4 =	sadd.s32 s7, s4;
	[dreg:$0x9] =	wrdreg s22  }
0xe: {  	s0 =	sadd.s32 s0, s14;
	s7 =	simm.s32 $0x80;
	[dreg:$0xa] =	wrdreg s23  }
0xf: {  	s21 =	simm.s32 $0xD400;
	s22 =	simm.s32 $0x400;
	[dreg:$0xb] =	wrdreg s24  }
0x10: {  	s23 =	simm.s32 $0xE400;
	[dreg:$0xc] =	wrdreg s25;
	s24 =	simm.s32 $0x480  }
0x11: {  	[dreg:$0xd] =	wrdreg s26;
	s25 =	simm.s32 $0xF400;
	s26 =	simm.s32 $0x10400  }
0x12: {  	s6 =	sadd.s32 s3, s1;
	s3 =	sadd.s32 $0xF42E00, s1;
	s15 =	sshll.u32 s4, $0x9  }
0x13: {  	s1 =	ssub.s32 s13, s9;
	[dreg:$0x3] =	wrdreg s0;
	s16 =	sadd.s32 s5, s15  }
0x14: {  	s4 =	sadd.s32 $0xA00, s6;
	s5 =	smax.u32 s1, $0x1;
	s17 =	sadd.s32 $0x1400, s16  }
0x15: {  	s6 =	simm.s32 $0x5;
	s1 =	simm.s32 $0x0;
	[dreg:$0x4] =	wrdreg s17  }
.LBB2_1:
0x16: {  	[tilespmem:s2], [sflag:$0x5] =	stream.linear.gather [hbm4b:s4+s2], $0x6400, $0x38;
	[tilespmem:$0x1A400] =	vst v63  }
0x17: {  	_ =	swait.ge [sflag:s6], $0x6400  }
0x18: {  	[sflag:s6] =	ssyncset.done $0x0  }
0x19: {  	[sflag:s6] =	ssyncadd.s32 $0xFFFF9C00  }
0x1a: {  	[tilespmem:s8], [sflag:$0x1] =	stream.indirect.gather [hbm4b:s3+s7], $0x20, s2, s7, $0xb8;
	[tilespmem:$0x1A400] =	vst v63  }
0x1b: {  	s0 =	simm.s32 $0x7400  }
0x1c: {  	[tilespmem:s0], [sflag:$0x1] =	stream.indirect.gather [hbm4b:s3+s7], $0x20, s7, s7, $0xb8;
	[tilespmem:$0x1A400] =	vst v63  }
0x1d: {  	s14 =	simm.s32 $0x100;
	s9 =	simm.s32 $0x8400  }
0x1e: {  	[tilespmem:s9], [sflag:$0x1] =	stream.indirect.gather [hbm4b:s3+s7], $0x20, s14, s7, $0xb8;
	[tilespmem:$0x1A400] =	vst v63  }
0x1f: {  	s15 =	simm.s32 $0x180;
	s16 =	simm.s32 $0x9400  }
0x20: {  	[tilespmem:s16], [sflag:$0x1] =	stream.indirect.gather [hbm4b:s3+s7], $0x20, s15, s7, $0xb8;
	[tilespmem:$0x1A400] =	vst v63  }
0x21: {  	s17 =	simm.s32 $0x200;
	s18 =	simm.s32 $0xA400  }
0x22: {  	[tilespmem:s18], [sflag:$0x1] =	stream.indirect.gather [hbm4b:s3+s7], $0x20, s17, s7, $0xb8;
	[tilespmem:$0x1A400] =	vst v63  }
0x23: {  	s19 =	simm.s32 $0x280;
	s20 =	simm.s32 $0xB400  }
0x24: {  	[tilespmem:s20], [sflag:$0x1] =	stream.indirect.gather [hbm4b:s3+s7], $0x20, s19, s7, $0xb8;
	[tilespmem:$0x1A400] =	vst v63  }
0x25: {  	s10 =	simm.s32 $0xC400;
	s9 =	simm.s32 $0x300  }
0x26: {  	[tilespmem:s10], [sflag:$0x1] =	stream.indirect.gather [hbm4b:s3+s7], $0x20, s9, s7, $0xb8;
	[tilespmem:$0x1A400] =	vst v63  }
0x27: {  	s11 =	simm.s32 $0x380  }
0x28: {  	[tilespmem:s21], [sflag:$0x1] =	stream.indirect.gather [hbm4b:s3+s7], $0x20, s11, s7, $0xb8;
	[tilespmem:$0x1A400] =	vst v63  }
0x29: {  	p0 =	por $0x1, $0x1  }
0x2a: {  	[tilespmem:s23], [sflag:$0x1] =	stream.indirect.gather [hbm4b:s3+s7], $0x20, s22, s7, $0xb8;
	[tilespmem:$0x1A400] =	vst v63  }
0x2b: {  	s0 =	simm.s32 @!p0 $0x4  }
0x2c: {  	[tilespmem:s25], [sflag:$0x1] =	stream.indirect.gather [hbm4b:s3+s7], $0x20, s24, s7, $0xb8;
	[tilespmem:$0x1A400] =	vst v63  }
0x2d: {  	_ =	swait.ge @!p0 [sflag:s0], $0xA000  }
0x2e: {  	[sflag:s0] =	ssyncset.done @!p0 $0x0  }
0x2f: {  	s12 =	simm.s32 $0x500;
	[sflag:s0] =	ssyncadd.s32 @!p0 $0xFFFF6000  }
0x30: {  	[tilespmem:s26], [sflag:$0x2] =	stream.indirect.gather [hbm4b:s3+s7], $0x20, s12, s7, $0xb8;
	[tilespmem:$0x1A400] =	vst v63  }
0x31: {  	s13 =	simm.s32 $0x580;
	s10 =	rddreg [dreg:$0x5]  }
0x32: {  	[tilespmem:s10], [sflag:$0x2] =	stream.indirect.gather [hbm4b:s3+s7], $0x20, s13, s7, $0xb8;
	[tilespmem:$0x1A400] =	vst v63  }
0x33: {  	s15 =	simm.s32 $0x600;
	s14 =	rddreg [dreg:$0x6]  }
0x34: {  	[tilespmem:s14], [sflag:$0x2] =	stream.indirect.gather [hbm4b:s3+s7], $0x20, s15, s7, $0xb8;
	[tilespmem:$0x1A400] =	vst v63  }
0x35: {  	s17 =	simm.s32 $0x680;
	s16 =	rddreg [dreg:$0x7]  }
0x36: {  	[tilespmem:s16], [sflag:$0x2] =	stream.indirect.gather [hbm4b:s3+s7], $0x20, s17, s7, $0xb8;
	[tilespmem:$0x1A400] =	vst v63  }
0x37: {  	s19 =	simm.s32 $0x700;
	s18 =	rddreg [dreg:$0x8]  }
0x38: {  	[tilespmem:s18], [sflag:$0x2] =	stream.indirect.gather [hbm4b:s3+s7], $0x20, s19, s7, $0xb8;
	[tilespmem:$0x1A400] =	vst v63  }
0x39: {  	s11 =	simm.s32 $0x780;
	s20 =	rddreg [dreg:$0x9]  }
0x3a: {  	[tilespmem:s20], [sflag:$0x2] =	stream.indirect.gather [hbm4b:s3+s7], $0x20, s11, s7, $0xb8;
	[tilespmem:$0x1A400] =	vst v63  }
0x3b: {  	s12 =	rddreg [dreg:$0xa];
	s13 =	simm.s32 $0x800  }
0x3c: {  	[tilespmem:s12], [sflag:$0x2] =	stream.indirect.gather [hbm4b:s3+s7], $0x20, s13, s7, $0xb8;
	[tilespmem:$0x1A400] =	vst v63  }
0x3d: {  	s14 =	rddreg [dreg:$0xb];
	s15 =	simm.s32 $0x880  }
0x3e: {  	[tilespmem:s14], [sflag:$0x2] =	stream.indirect.gather [hbm4b:s3+s7], $0x20, s15, s7, $0xb8;
	[tilespmem:$0x1A400] =	vst v63  }
0x3f: {  	s16 =	rddreg [dreg:$0xc];
	s17 =	simm.s32 $0x900  }
0x40: {  	[tilespmem:s16], [sflag:$0x2] =	stream.indirect.gather [hbm4b:s3+s7], $0x20, s17, s7, $0xb8;
	[tilespmem:$0x1A400] =	vst v63  }
0x41: {  	s18 =	rddreg [dreg:$0xd];
	s19 =	simm.s32 $0x980  }
0x42: {  	[tilespmem:s18], [sflag:$0x2] =	stream.indirect.gather [hbm4b:s3+s7], $0x20, s19, s7, $0xb8;
	[tilespmem:$0x1A400] =	vst v63  }
0x43: {  	_ =	swait.ge [sflag:s28], $0x1000  }
0x44: {  	[sflag:s28] =	ssyncset.done $0x0  }
0x45: {  	[sflag:s28] =	ssyncadd.s32 $0xFFFFF000  }
0x46: {  	_ =	swait.ge [sflag:s28], $0x1000  }
0x47: {  	[sflag:s28] =	ssyncset.done $0x0  }
0x48: {  	[sflag:s28] =	ssyncadd.s32 $0xFFFFF000  }
0x49: {  	_ =	swait.ge [sflag:s28], $0x1000  }
0x4a: {  	[sflag:s28] =	ssyncset.done $0x0  }
0x4b: {  	[sflag:s28] =	ssyncadd.s32 $0xFFFFF000  }
0x4c: {  	_ =	swait.ge [sflag:s28], $0x1000  }
0x4d: {  	[sflag:s28] =	ssyncset.done $0x0  }
0x4e: {  	[sflag:s28] =	ssyncadd.s32 $0xFFFFF000  }
0x4f: {  	_ =	swait.ge [sflag:s28], $0x1000  }
0x50: {  	[sflag:s28] =	ssyncset.done $0x0  }
0x51: {  	[sflag:s28] =	ssyncadd.s32 $0xFFFFF000  }
0x52: {  	_ =	swait.ge [sflag:s28], $0x1000  }
0x53: {  	[sflag:s28] =	ssyncset.done $0x0  }
0x54: {  	[sflag:s28] =	ssyncadd.s32 $0xFFFFF000  }
0x55: {  	_ =	swait.ge [sflag:s28], $0x1000  }
0x56: {  	[sflag:s28] =	ssyncset.done $0x0  }
0x57: {  	[sflag:s28] =	ssyncadd.s32 $0xFFFFF000  }
0x58: {  	_ =	swait.ge [sflag:s28], $0x1000  }
0x59: {  	[sflag:s28] =	ssyncset.done $0x0  }
0x5a: {  	[sflag:s28] =	ssyncadd.s32 $0xFFFFF000  }
0x5b: {  	_ =	swait.ge [sflag:s28], $0x1000  }
0x5c: {  	[sflag:s28] =	ssyncset.done $0x0  }
0x5d: {  	[sflag:s28] =	ssyncadd.s32 $0xFFFFF000  }
0x5e: {  	_ =	swait.ge [sflag:s28], $0x1000  }
0x5f: {  	p0 =	por $0x0, $0x0;
	s20 =	rddreg [dreg:$0x3];
	[sflag:s28] =	ssyncset.done $0x0  }
0x60: {  	s9 =	simm.s32 @!p0 $0x3;
	[sflag:s28] =	ssyncadd.s32 $0xFFFFF000;
	s0 =	sadd.s32 $0x0, s20  }
0x61: {  	[hbm4b:s0+s2] =	stream.linear.scatter [tilespmem:s8], [sflag:$0x3], $0xA000, $0x38;
	[tilespmem:$0x1A400] =	vst v63  }
0x62: {  	_ =	swait.ge @!p0 [sflag:s9], $0xA000  }
0x63: {  	s10 =	simm.s32 @!p0 $0x80;
	[sflag:s9] =	ssyncset.done @!p0 $0x0  }
0x64: {  	s11 =	simm.s32 @!p0 $0x6400;
	s0 =	simm.s32 @!p0 $0xA00;
	[sflag:s9] =	ssyncadd.s32 @!p0 $0xFFFF6000  }
0x65: {  	[tilespmem:s11], [sflag:$0x1] =	stream.indirect.gather @!p0 [hbm4b:s3+s10], $0x20, s0, s10, $0xb8;
	[tilespmem:$0x1A400] =	vst v63  }
0x66: {  	s9 =	simm.s32 @!p0 $0x7400;
	s0 =	simm.s32 @!p0 $0xA80  }
0x67: {  	[tilespmem:s9], [sflag:$0x1] =	stream.indirect.gather @!p0 [hbm4b:s3+s10], $0x20, s0, s10, $0xb8;
	[tilespmem:$0x1A400] =	vst v63  }
0x68: {  	s0 =	simm.s32 @!p0 $0xB00;
	s9 =	simm.s32 @!p0 $0x8400  }
0x69: {  	[tilespmem:s9], [sflag:$0x1] =	stream.indirect.gather @!p0 [hbm4b:s3+s10], $0x20, s0, s10, $0xb8;
	[tilespmem:$0x1A400] =	vst v63  }
0x6a: {  	s0 =	simm.s32 @!p0 $0xB80;
	s9 =	simm.s32 @!p0 $0x9400  }
0x6b: {  	[tilespmem:s9], [sflag:$0x1] =	stream.indirect.gather @!p0 [hbm4b:s3+s10], $0x20, s0, s10, $0xb8;
	[tilespmem:$0x1A400] =	vst v63  }
0x6c: {  	s0 =	simm.s32 @!p0 $0xC00;
	s9 =	simm.s32 @!p0 $0xA400  }
0x6d: {  	[tilespmem:s9], [sflag:$0x1] =	stream.indirect.gather @!p0 [hbm4b:s3+s10], $0x20, s0, s10, $0xb8;
	[tilespmem:$0x1A400] =	vst v63  }
0x6e: {  	s0 =	simm.s32 @!p0 $0xC80;
	s9 =	simm.s32 @!p0 $0xB400  }
0x6f: {  	[tilespmem:s9], [sflag:$0x1] =	stream.indirect.gather @!p0 [hbm4b:s3+s10], $0x20, s0, s10, $0xb8;
	[tilespmem:$0x1A400] =	vst v63  }
0x70: {  	s0 =	simm.s32 @!p0 $0xD00;
	s9 =	simm.s32 @!p0 $0xC400  }
0x71: {  	[tilespmem:s9], [sflag:$0x1] =	stream.indirect.gather @!p0 [hbm4b:s3+s10], $0x20, s0, s10, $0xb8;
	[tilespmem:$0x1A400] =	vst v63  }
0x72: {  	s0 =	simm.s32 @!p0 $0xD80;
	s9 =	simm.s32 @!p0 $0xD400  }
0x73: {  	[tilespmem:s9], [sflag:$0x1] =	stream.indirect.gather @!p0 [hbm4b:s3+s10], $0x20, s0, s10, $0xb8;
	[tilespmem:$0x1A400] =	vst v63  }
0x74: {  	s0 =	simm.s32 @!p0 $0xE00;
	s9 =	simm.s32 @!p0 $0xE400  }
0x75: {  	[tilespmem:s9], [sflag:$0x1] =	stream.indirect.gather @!p0 [hbm4b:s3+s10], $0x20, s0, s10, $0xb8;
	[tilespmem:$0x1A400] =	vst v63  }
0x76: {  	s0 =	simm.s32 @!p0 $0xE80;
	s9 =	simm.s32 @!p0 $0xF400  }
0x77: {  	[tilespmem:s9], [sflag:$0x1] =	stream.indirect.gather @!p0 [hbm4b:s3+s10], $0x20, s0, s10, $0xb8;
	[tilespmem:$0x1A400] =	vst v63  }
0x78: {  	_ =	swait.ge [sflag:s29], $0x1000  }
0x79: {  	[sflag:s29] =	ssyncset.done $0x0  }
0x7a: {  	[sflag:s29] =	ssyncadd.s32 $0xFFFFF000  }
0x7b: {  	_ =	swait.ge [sflag:s29], $0x1000  }
0x7c: {  	[sflag:s29] =	ssyncset.done $0x0  }
0x7d: {  	[sflag:s29] =	ssyncadd.s32 $0xFFFFF000  }
0x7e: {  	_ =	swait.ge [sflag:s29], $0x1000  }
0x7f: {  	[sflag:s29] =	ssyncset.done $0x0  }
0x80: {  	[sflag:s29] =	ssyncadd.s32 $0xFFFFF000  }
0x81: {  	_ =	swait.ge [sflag:s29], $0x1000  }
0x82: {  	[sflag:s29] =	ssyncset.done $0x0  }
0x83: {  	[sflag:s29] =	ssyncadd.s32 $0xFFFFF000  }
0x84: {  	_ =	swait.ge [sflag:s29], $0x1000  }
0x85: {  	[sflag:s29] =	ssyncset.done $0x0  }
0x86: {  	[sflag:s29] =	ssyncadd.s32 $0xFFFFF000  }
0x87: {  	_ =	swait.ge [sflag:s29], $0x1000  }
0x88: {  	[sflag:s29] =	ssyncset.done $0x0  }
0x89: {  	[sflag:s29] =	ssyncadd.s32 $0xFFFFF000  }
0x8a: {  	_ =	swait.ge [sflag:s29], $0x1000  }
0x8b: {  	[sflag:s29] =	ssyncset.done $0x0  }
0x8c: {  	[sflag:s29] =	ssyncadd.s32 $0xFFFFF000  }
0x8d: {  	_ =	swait.ge [sflag:s29], $0x1000  }
0x8e: {  	[sflag:s29] =	ssyncset.done $0x0  }
0x8f: {  	[sflag:s29] =	ssyncadd.s32 $0xFFFFF000  }
0x90: {  	_ =	swait.ge [sflag:s29], $0x1000  }
0x91: {  	[sflag:s29] =	ssyncset.done $0x0  }
0x92: {  	[sflag:s29] =	ssyncadd.s32 $0xFFFFF000  }
0x93: {  	p1 =	por $0x0, $0x0;
	_ =	swait.ge [sflag:s29], $0x1000  }
0x94: {  	s0 =	simm.s32 $0x2800;
	s9 =	simm.s32 $0x5000;
	[sflag:s29] =	ssyncset.done $0x0  }
0x95: {  	s10 =	simm.s32 $0x0;
	s11 =	rddreg [dreg:$0x4];
	[sflag:s29] =	ssyncadd.s32 $0xFFFFF000  }
.LBB2_2:
0x96: {  	s12 =	simm.s32 @!p1 $0x4;
	s11 =	sadd.s32 s10, s11  }
0x97: {  	[hbm4b:s11+s2] =	stream.linear.scatter [tilespmem:s26], [sflag:$0x4], $0xA000, $0x38;
	[tilespmem:$0x1A400] =	vst v63  }
0x98: {  	s10 =	smov.u32 s0;
	_ =	swait.ge @!p1 [sflag:s12], $0xA000  }
0x99: {  	s11 =	sshra.s32 s10, $0x2;
	[sflag:s12] =	ssyncset.done @!p1 $0x0  }
0x9a: {  	s16 =	sadd.s32 $0x500, s11;
	[sflag:s12] =	ssyncadd.s32 @!p1 $0xFFFF6000  }
0x9b: {  	[tilespmem:s26], [sflag:$0x2] =	stream.indirect.gather [hbm4b:s3+s7], $0x20, s16, s7, $0xb8;
	[tilespmem:$0x1A400] =	vst v63  }
0x9c: {  	s17 =	sadd.s32 $0x580, s11;
	s14 =	rddreg [dreg:$0x5]  }
0x9d: {  	[tilespmem:s14], [sflag:$0x2] =	stream.indirect.gather [hbm4b:s3+s7], $0x20, s17, s7, $0xb8;
	[tilespmem:$0x1A400] =	vst v63  }
0x9e: {  	s19 =	sadd.s32 $0x600, s11;
	s18 =	rddreg [dreg:$0x6]  }
0x9f: {  	[tilespmem:s18], [sflag:$0x2] =	stream.indirect.gather [hbm4b:s3+s7], $0x20, s19, s7, $0xb8;
	[tilespmem:$0x1A400] =	vst v63  }
0xa0: {  	s15 =	sadd.s32 $0x680, s11;
	s20 =	rddreg [dreg:$0x7]  }
0xa1: {  	[tilespmem:s20], [sflag:$0x2] =	stream.indirect.gather [hbm4b:s3+s7], $0x20, s15, s7, $0xb8;
	[tilespmem:$0x1A400] =	vst v63  }
0xa2: {  	s16 =	rddreg [dreg:$0x8];
	s17 =	sadd.s32 $0x700, s11  }
0xa3: {  	[tilespmem:s16], [sflag:$0x2] =	stream.indirect.gather [hbm4b:s3+s7], $0x20, s17, s7, $0xb8;
	[tilespmem:$0x1A400] =	vst v63  }
0xa4: {  	s18 =	rddreg [dreg:$0x9];
	s19 =	sadd.s32 $0x780, s11  }
0xa5: {  	[tilespmem:s18], [sflag:$0x2] =	stream.indirect.gather [hbm4b:s3+s7], $0x20, s19, s7, $0xb8;
	[tilespmem:$0x1A400] =	vst v63  }
0xa6: {  	s14 =	sadd.s32 $0x800, s11;
	s20 =	rddreg [dreg:$0xa]  }
0xa7: {  	[tilespmem:s20], [sflag:$0x2] =	stream.indirect.gather [hbm4b:s3+s7], $0x20, s14, s7, $0xb8;
	[tilespmem:$0x1A400] =	vst v63  }
0xa8: {  	s15 =	rddreg [dreg:$0xb];
	s16 =	sadd.s32 $0x880, s11  }
0xa9: {  	[tilespmem:s15], [sflag:$0x2] =	stream.indirect.gather [hbm4b:s3+s7], $0x20, s16, s7, $0xb8;
	[tilespmem:$0x1A400] =	vst v63  }
0xaa: {  	s17 =	rddreg [dreg:$0xc];
	s18 =	sadd.s32 $0x900, s11  }
0xab: {  	[tilespmem:s17], [sflag:$0x2] =	stream.indirect.gather [hbm4b:s3+s7], $0x20, s18, s7, $0xb8;
	[tilespmem:$0x1A400] =	vst v63  }
0xac: {  	s19 =	rddreg [dreg:$0xd];
	s11 =	sadd.s32 $0x980, s11  }
0xad: {  	[tilespmem:s19], [sflag:$0x2] =	stream.indirect.gather [hbm4b:s3+s7], $0x20, s11, s7, $0xb8;
	[tilespmem:$0x1A400] =	vst v63  }
0xae: {  	_ =	swait.ge [sflag:s28], $0x1000  }
0xaf: {  	[sflag:s28] =	ssyncset.done $0x0  }
0xb0: {  	[sflag:s28] =	ssyncadd.s32 $0xFFFFF000  }
0xb1: {  	_ =	swait.ge [sflag:s28], $0x1000  }
0xb2: {  	[sflag:s28] =	ssyncset.done $0x0  }
0xb3: {  	[sflag:s28] =	ssyncadd.s32 $0xFFFFF000  }
0xb4: {  	_ =	swait.ge [sflag:s28], $0x1000  }
0xb5: {  	[sflag:s28] =	ssyncset.done $0x0  }
0xb6: {  	[sflag:s28] =	ssyncadd.s32 $0xFFFFF000  }
0xb7: {  	_ =	swait.ge [sflag:s28], $0x1000  }
0xb8: {  	[sflag:s28] =	ssyncset.done $0x0  }
0xb9: {  	[sflag:s28] =	ssyncadd.s32 $0xFFFFF000  }
0xba: {  	_ =	swait.ge [sflag:s28], $0x1000  }
0xbb: {  	[sflag:s28] =	ssyncset.done $0x0  }
0xbc: {  	[sflag:s28] =	ssyncadd.s32 $0xFFFFF000  }
0xbd: {  	_ =	swait.ge [sflag:s28], $0x1000  }
0xbe: {  	[sflag:s28] =	ssyncset.done $0x0  }
0xbf: {  	[sflag:s28] =	ssyncadd.s32 $0xFFFFF000  }
0xc0: {  	_ =	swait.ge [sflag:s28], $0x1000  }
0xc1: {  	[sflag:s28] =	ssyncset.done $0x0  }
0xc2: {  	[sflag:s28] =	ssyncadd.s32 $0xFFFFF000  }
0xc3: {  	_ =	swait.ge [sflag:s28], $0x1000  }
0xc4: {  	[sflag:s28] =	ssyncset.done $0x0  }
0xc5: {  	[sflag:s28] =	ssyncadd.s32 $0xFFFFF000  }
0xc6: {  	_ =	swait.ge [sflag:s28], $0x1000  }
0xc7: {  	[sflag:s28] =	ssyncset.done $0x0  }
0xc8: {  	[sflag:s28] =	ssyncadd.s32 $0xFFFFF000  }
0xc9: {  	s13 =	smov.u32 s9;
	_ =	swait.ge [sflag:s28], $0x1000  }
0xca: {  	p1 =	seq.s32 s10, $0x16800;
	s20 =	rddreg [dreg:$0x3];
	[sflag:s28] =	ssyncset.done $0x0  }
0xcb: {  	s12 =	simm.s32 @!p1 $0x3;
	[sflag:s28] =	ssyncadd.s32 $0xFFFFF000;
	s11 =	sadd.s32 s10, s20  }
0xcc: {  	[hbm4b:s11+s2] =	stream.linear.scatter [tilespmem:s8], [sflag:$0x3], $0xA000, $0x38;
	[tilespmem:$0x1A400] =	vst v63  }
0xcd: {  	s0 =	smov.u32 s13;
	_ =	swait.ge @!p1 [sflag:s12], $0xA000  }
0xce: {  	s13 =	sshra.s32 @!p1 s10, $0x2;
	s15 =	simm.s32 @!p1 $0x80;
	[sflag:s12] =	ssyncset.done @!p1 $0x0  }
0xcf: {  	s16 =	simm.s32 @!p1 $0x6400;
	s11 =	sadd.s32 @!p1 $0xA00, s13;
	[sflag:s12] =	ssyncadd.s32 @!p1 $0xFFFF6000  }
0xd0: {  	[tilespmem:s16], [sflag:$0x1] =	stream.indirect.gather @!p1 [hbm4b:s3+s15], $0x20, s11, s15, $0xb8;
	[tilespmem:$0x1A400] =	vst v63  }
0xd1: {  	s14 =	sadd.s32 @!p1 $0xA80, s13;
	s12 =	simm.s32 @!p1 $0x7400  }
0xd2: {  	[tilespmem:s12], [sflag:$0x1] =	stream.indirect.gather @!p1 [hbm4b:s3+s15], $0x20, s14, s15, $0xb8;
	[tilespmem:$0x1A400] =	vst v63  }
0xd3: {  	s17 =	sadd.s32 @!p1 $0xB00, s13;
	s11 =	simm.s32 @!p1 $0x8400  }
0xd4: {  	[tilespmem:s11], [sflag:$0x1] =	stream.indirect.gather @!p1 [hbm4b:s3+s15], $0x20, s17, s15, $0xb8;
	[tilespmem:$0x1A400] =	vst v63  }
0xd5: {  	s16 =	sadd.s32 @!p1 $0xB80, s13;
	s12 =	simm.s32 @!p1 $0x9400  }
0xd6: {  	[tilespmem:s12], [sflag:$0x1] =	stream.indirect.gather @!p1 [hbm4b:s3+s15], $0x20, s16, s15, $0xb8;
	[tilespmem:$0x1A400] =	vst v63  }
0xd7: {  	s18 =	sadd.s32 @!p1 $0xC00, s13;
	s11 =	simm.s32 @!p1 $0xA400  }
0xd8: {  	[tilespmem:s11], [sflag:$0x1] =	stream.indirect.gather @!p1 [hbm4b:s3+s15], $0x20, s18, s15, $0xb8;
	[tilespmem:$0x1A400] =	vst v63  }
0xd9: {  	s14 =	sadd.s32 @!p1 $0xC80, s13;
	s12 =	simm.s32 @!p1 $0xB400  }
0xda: {  	[tilespmem:s12], [sflag:$0x1] =	stream.indirect.gather @!p1 [hbm4b:s3+s15], $0x20, s14, s15, $0xb8;
	[tilespmem:$0x1A400] =	vst v63  }
0xdb: {  	s19 =	sadd.s32 @!p1 $0xD00, s13;
	s11 =	simm.s32 @!p1 $0xC400  }
0xdc: {  	[tilespmem:s11], [sflag:$0x1] =	stream.indirect.gather @!p1 [hbm4b:s3+s15], $0x20, s19, s15, $0xb8;
	[tilespmem:$0x1A400] =	vst v63  }
0xdd: {  	s17 =	sadd.s32 @!p1 $0xD80, s13;
	s12 =	simm.s32 @!p1 $0xD400  }
0xde: {  	[tilespmem:s12], [sflag:$0x1] =	stream.indirect.gather @!p1 [hbm4b:s3+s15], $0x20, s17, s15, $0xb8;
	[tilespmem:$0x1A400] =	vst v63  }
0xdf: {  	s20 =	sadd.s32 @!p1 $0xE00, s13;
	s11 =	simm.s32 @!p1 $0xE400  }
0xe0: {  	[tilespmem:s11], [sflag:$0x1] =	stream.indirect.gather @!p1 [hbm4b:s3+s15], $0x20, s20, s15, $0xb8;
	[tilespmem:$0x1A400] =	vst v63  }
0xe1: {  	s13 =	sadd.s32 @!p1 $0xE80, s13;
	s12 =	simm.s32 @!p1 $0xF400  }
0xe2: {  	[tilespmem:s12], [sflag:$0x1] =	stream.indirect.gather @!p1 [hbm4b:s3+s15], $0x20, s13, s15, $0xb8;
	[tilespmem:$0x1A400] =	vst v63  }
0xe3: {  	_ =	swait.ge [sflag:s29], $0x1000  }
0xe4: {  	[sflag:s29] =	ssyncset.done $0x0  }
0xe5: {  	[sflag:s29] =	ssyncadd.s32 $0xFFFFF000  }
0xe6: {  	_ =	swait.ge [sflag:s29], $0x1000  }
0xe7: {  	[sflag:s29] =	ssyncset.done $0x0  }
0xe8: {  	[sflag:s29] =	ssyncadd.s32 $0xFFFFF000  }
0xe9: {  	_ =	swait.ge [sflag:s29], $0x1000  }
0xea: {  	[sflag:s29] =	ssyncset.done $0x0  }
0xeb: {  	[sflag:s29] =	ssyncadd.s32 $0xFFFFF000  }
0xec: {  	_ =	swait.ge [sflag:s29], $0x1000  }
0xed: {  	[sflag:s29] =	ssyncset.done $0x0  }
0xee: {  	[sflag:s29] =	ssyncadd.s32 $0xFFFFF000  }
0xef: {  	_ =	swait.ge [sflag:s29], $0x1000  }
0xf0: {  	[sflag:s29] =	ssyncset.done $0x0  }
0xf1: {  	[sflag:s29] =	ssyncadd.s32 $0xFFFFF000  }
0xf2: {  	_ =	swait.ge [sflag:s29], $0x1000  }
0xf3: {  	[sflag:s29] =	ssyncset.done $0x0  }
0xf4: {  	[sflag:s29] =	ssyncadd.s32 $0xFFFFF000  }
0xf5: {  	_ =	swait.ge [sflag:s29], $0x1000  }
0xf6: {  	[sflag:s29] =	ssyncset.done $0x0  }
0xf7: {  	[sflag:s29] =	ssyncadd.s32 $0xFFFFF000  }
0xf8: {  	_ =	swait.ge [sflag:s29], $0x1000  }
0xf9: {  	[sflag:s29] =	ssyncset.done $0x0  }
0xfa: {  	s9 =	sadd.s32 $0x2800, s9;
	[sflag:s29] =	ssyncadd.s32 $0xFFFFF000  }
0xfb: {  	p0 =	sne.s32 s9, $0x19000;
	_ =	swait.ge [sflag:s29], $0x1000  }
.Ltmp0:
0xfc: {  	[sflag:s29] =	ssyncset.done $0x0;
	(pc) =	sbr.rel @p0 .LBB2_2-.Ltmp0, $4  }
0xfd: {  	[sflag:s29] =	ssyncadd.s32 $0xFFFFF000  }
0xfe: {  	_ =	swait.ge [sflag:s29], $0x1000  }
0xff: {  	[sflag:s29] =	ssyncset.done $0x0  }
0x100: {  	p1 =	seq.s32 s0, $0x0;
	s11 =	rddreg [dreg:$0x4];
	[sflag:s29] =	ssyncadd.s32 $0xFFFFF000  }
0x101: {  	s9 =	simm.s32 @!p1 $0x4;
	s10 =	sadd.s32 s10, s11  }
0x102: {  	[hbm4b:s10+s2] =	stream.linear.scatter [tilespmem:s26], [sflag:$0x4], $0xA000, $0x38;
	[tilespmem:$0x1A400] =	vst v63  }
0x103: {  	_ =	swait.ge @!p1 [sflag:s9], $0xA000  }
0x104: {  	s10 =	sshra.s32 s0, $0x2;
	[sflag:s9] =	ssyncset.done @!p1 $0x0  }
0x105: {  	s16 =	sadd.s32 $0x500, s10;
	[sflag:s9] =	ssyncadd.s32 @!p1 $0xFFFF6000  }
0x106: {  	[tilespmem:s26], [sflag:$0x2] =	stream.indirect.gather [hbm4b:s3+s7], $0x20, s16, s7, $0xb8;
	[tilespmem:$0x1A400] =	vst v63  }
0x107: {  	s17 =	sadd.s32 $0x580, s10;
	s12 =	rddreg [dreg:$0x5]  }
0x108: {  	[tilespmem:s12], [sflag:$0x2] =	stream.indirect.gather [hbm4b:s3+s7], $0x20, s17, s7, $0xb8;
	[tilespmem:$0x1A400] =	vst v63  }
0x109: {  	s19 =	sadd.s32 $0x600, s10;
	s18 =	rddreg [dreg:$0x6]  }
0x10a: {  	[tilespmem:s18], [sflag:$0x2] =	stream.indirect.gather [hbm4b:s3+s7], $0x20, s19, s7, $0xb8;
	[tilespmem:$0x1A400] =	vst v63  }
0x10b: {  	s13 =	sadd.s32 $0x680, s10;
	s20 =	rddreg [dreg:$0x7]  }
0x10c: {  	[tilespmem:s20], [sflag:$0x2] =	stream.indirect.gather [hbm4b:s3+s7], $0x20, s13, s7, $0xb8;
	[tilespmem:$0x1A400] =	vst v63  }
0x10d: {  	s15 =	sadd.s32 $0x700, s10;
	s14 =	rddreg [dreg:$0x8]  }
0x10e: {  	[tilespmem:s14], [sflag:$0x2] =	stream.indirect.gather [hbm4b:s3+s7], $0x20, s15, s7, $0xb8;
	[tilespmem:$0x1A400] =	vst v63  }
0x10f: {  	s16 =	rddreg [dreg:$0x9];
	s17 =	sadd.s32 $0x780, s10  }
0x110: {  	[tilespmem:s16], [sflag:$0x2] =	stream.indirect.gather [hbm4b:s3+s7], $0x20, s17, s7, $0xb8;
	[tilespmem:$0x1A400] =	vst v63  }
0x111: {  	s18 =	rddreg [dreg:$0xa];
	s19 =	sadd.s32 $0x800, s10  }
0x112: {  	[tilespmem:s18], [sflag:$0x2] =	stream.indirect.gather [hbm4b:s3+s7], $0x20, s19, s7, $0xb8;
	[tilespmem:$0x1A400] =	vst v63  }
0x113: {  	s20 =	rddreg [dreg:$0xb];
	s13 =	sadd.s32 $0x880, s10  }
0x114: {  	[tilespmem:s20], [sflag:$0x2] =	stream.indirect.gather [hbm4b:s3+s7], $0x20, s13, s7, $0xb8;
	[tilespmem:$0x1A400] =	vst v63  }
0x115: {  	s14 =	rddreg [dreg:$0xc];
	s15 =	sadd.s32 $0x900, s10  }
0x116: {  	[tilespmem:s14], [sflag:$0x2] =	stream.indirect.gather [hbm4b:s3+s7], $0x20, s15, s7, $0xb8;
	[tilespmem:$0x1A400] =	vst v63  }
0x117: {  	s16 =	rddreg [dreg:$0xd];
	s17 =	sadd.s32 $0x980, s10  }
0x118: {  	[tilespmem:s16], [sflag:$0x2] =	stream.indirect.gather [hbm4b:s3+s7], $0x20, s17, s7, $0xb8;
	[tilespmem:$0x1A400] =	vst v63  }
0x119: {  	_ =	swait.ge [sflag:s28], $0x1000  }
0x11a: {  	[sflag:s28] =	ssyncset.done $0x0  }
0x11b: {  	[sflag:s28] =	ssyncadd.s32 $0xFFFFF000  }
0x11c: {  	_ =	swait.ge [sflag:s28], $0x1000  }
0x11d: {  	[sflag:s28] =	ssyncset.done $0x0  }
0x11e: {  	[sflag:s28] =	ssyncadd.s32 $0xFFFFF000  }
0x11f: {  	_ =	swait.ge [sflag:s28], $0x1000  }
0x120: {  	[sflag:s28] =	ssyncset.done $0x0  }
0x121: {  	[sflag:s28] =	ssyncadd.s32 $0xFFFFF000  }
0x122: {  	_ =	swait.ge [sflag:s28], $0x1000  }
0x123: {  	[sflag:s28] =	ssyncset.done $0x0  }
0x124: {  	[sflag:s28] =	ssyncadd.s32 $0xFFFFF000  }
0x125: {  	_ =	swait.ge [sflag:s28], $0x1000  }
0x126: {  	[sflag:s28] =	ssyncset.done $0x0  }
0x127: {  	[sflag:s28] =	ssyncadd.s32 $0xFFFFF000  }
0x128: {  	_ =	swait.ge [sflag:s28], $0x1000  }
0x129: {  	[sflag:s28] =	ssyncset.done $0x0  }
0x12a: {  	[sflag:s28] =	ssyncadd.s32 $0xFFFFF000  }
0x12b: {  	_ =	swait.ge [sflag:s28], $0x1000  }
0x12c: {  	[sflag:s28] =	ssyncset.done $0x0  }
0x12d: {  	[sflag:s28] =	ssyncadd.s32 $0xFFFFF000  }
0x12e: {  	_ =	swait.ge [sflag:s28], $0x1000  }
0x12f: {  	[sflag:s28] =	ssyncset.done $0x0  }
0x130: {  	[sflag:s28] =	ssyncadd.s32 $0xFFFFF000  }
0x131: {  	_ =	swait.ge [sflag:s28], $0x1000  }
0x132: {  	[sflag:s28] =	ssyncset.done $0x0  }
0x133: {  	[sflag:s28] =	ssyncadd.s32 $0xFFFFF000  }
0x134: {  	_ =	swait.ge [sflag:s28], $0x1000  }
0x135: {  	p0 =	seq.s32 s0, $0x16800;
	s18 =	rddreg [dreg:$0x3];
	[sflag:s28] =	ssyncset.done $0x0  }
0x136: {  	s10 =	simm.s32 @!p0 $0x3;
	[sflag:s28] =	ssyncadd.s32 $0xFFFFF000;
	s9 =	sadd.s32 s0, s18  }
0x137: {  	[hbm4b:s9+s2] =	stream.linear.scatter [tilespmem:s8], [sflag:$0x3], $0xA000, $0x38;
	[tilespmem:$0x1A400] =	vst v63  }
0x138: {  	_ =	swait.ge @!p0 [sflag:s10], $0xA000  }
0x139: {  	s12 =	simm.s32 @!p0 $0x80;
	s9 =	sshra.s32 @!p0 s0, $0x2;
	[sflag:s10] =	ssyncset.done @!p0 $0x0  }
0x13a: {  	s13 =	simm.s32 @!p0 $0x6400;
	s11 =	sadd.s32 @!p0 $0xA00, s9;
	[sflag:s10] =	ssyncadd.s32 @!p0 $0xFFFF6000  }
0x13b: {  	[tilespmem:s13], [sflag:$0x1] =	stream.indirect.gather @!p0 [hbm4b:s3+s12], $0x20, s11, s12, $0xb8;
	[tilespmem:$0x1A400] =	vst v63  }
0x13c: {  	s10 =	sadd.s32 @!p0 $0xA80, s9;
	s11 =	simm.s32 @!p0 $0x7400  }
0x13d: {  	[tilespmem:s11], [sflag:$0x1] =	stream.indirect.gather @!p0 [hbm4b:s3+s12], $0x20, s10, s12, $0xb8;
	[tilespmem:$0x1A400] =	vst v63  }
0x13e: {  	s10 =	sadd.s32 @!p0 $0xB00, s9;
	s11 =	simm.s32 @!p0 $0x8400  }
0x13f: {  	[tilespmem:s11], [sflag:$0x1] =	stream.indirect.gather @!p0 [hbm4b:s3+s12], $0x20, s10, s12, $0xb8;
	[tilespmem:$0x1A400] =	vst v63  }
0x140: {  	s10 =	sadd.s32 @!p0 $0xB80, s9;
	s11 =	simm.s32 @!p0 $0x9400  }
0x141: {  	[tilespmem:s11], [sflag:$0x1] =	stream.indirect.gather @!p0 [hbm4b:s3+s12], $0x20, s10, s12, $0xb8;
	[tilespmem:$0x1A400] =	vst v63  }
0x142: {  	s10 =	sadd.s32 @!p0 $0xC00, s9;
	s11 =	simm.s32 @!p0 $0xA400  }
0x143: {  	[tilespmem:s11], [sflag:$0x1] =	stream.indirect.gather @!p0 [hbm4b:s3+s12], $0x20, s10, s12, $0xb8;
	[tilespmem:$0x1A400] =	vst v63  }
0x144: {  	s10 =	sadd.s32 @!p0 $0xC80, s9;
	s11 =	simm.s32 @!p0 $0xB400  }
0x145: {  	[tilespmem:s11], [sflag:$0x1] =	stream.indirect.gather @!p0 [hbm4b:s3+s12], $0x20, s10, s12, $0xb8;
	[tilespmem:$0x1A400] =	vst v63  }
0x146: {  	s10 =	sadd.s32 @!p0 $0xD00, s9;
	s11 =	simm.s32 @!p0 $0xC400  }
0x147: {  	[tilespmem:s11], [sflag:$0x1] =	stream.indirect.gather @!p0 [hbm4b:s3+s12], $0x20, s10, s12, $0xb8;
	[tilespmem:$0x1A400] =	vst v63  }
0x148: {  	s10 =	sadd.s32 @!p0 $0xD80, s9;
	s11 =	simm.s32 @!p0 $0xD400  }
0x149: {  	[tilespmem:s11], [sflag:$0x1] =	stream.indirect.gather @!p0 [hbm4b:s3+s12], $0x20, s10, s12, $0xb8;
	[tilespmem:$0x1A400] =	vst v63  }
0x14a: {  	s10 =	sadd.s32 @!p0 $0xE00, s9;
	s11 =	simm.s32 @!p0 $0xE400  }
0x14b: {  	[tilespmem:s11], [sflag:$0x1] =	stream.indirect.gather @!p0 [hbm4b:s3+s12], $0x20, s10, s12, $0xb8;
	[tilespmem:$0x1A400] =	vst v63  }
0x14c: {  	s9 =	sadd.s32 @!p0 $0xE80, s9;
	s10 =	simm.s32 @!p0 $0xF400  }
0x14d: {  	[tilespmem:s10], [sflag:$0x1] =	stream.indirect.gather @!p0 [hbm4b:s3+s12], $0x20, s9, s12, $0xb8;
	[tilespmem:$0x1A400] =	vst v63  }
0x14e: {  	_ =	swait.ge [sflag:s29], $0x1000  }
0x14f: {  	[sflag:s29] =	ssyncset.done $0x0  }
0x150: {  	[sflag:s29] =	ssyncadd.s32 $0xFFFFF000  }
0x151: {  	_ =	swait.ge [sflag:s29], $0x1000  }
0x152: {  	[sflag:s29] =	ssyncset.done $0x0  }
0x153: {  	[sflag:s29] =	ssyncadd.s32 $0xFFFFF000  }
0x154: {  	_ =	swait.ge [sflag:s29], $0x1000  }
0x155: {  	[sflag:s29] =	ssyncset.done $0x0  }
0x156: {  	[sflag:s29] =	ssyncadd.s32 $0xFFFFF000  }
0x157: {  	_ =	swait.ge [sflag:s29], $0x1000  }
0x158: {  	[sflag:s29] =	ssyncset.done $0x0  }
0x159: {  	[sflag:s29] =	ssyncadd.s32 $0xFFFFF000  }
0x15a: {  	_ =	swait.ge [sflag:s29], $0x1000  }
0x15b: {  	[sflag:s29] =	ssyncset.done $0x0  }
0x15c: {  	[sflag:s29] =	ssyncadd.s32 $0xFFFFF000  }
0x15d: {  	_ =	swait.ge [sflag:s29], $0x1000  }
0x15e: {  	[sflag:s29] =	ssyncset.done $0x0  }
0x15f: {  	[sflag:s29] =	ssyncadd.s32 $0xFFFFF000  }
0x160: {  	_ =	swait.ge [sflag:s29], $0x1000  }
0x161: {  	[sflag:s29] =	ssyncset.done $0x0  }
0x162: {  	[sflag:s29] =	ssyncadd.s32 $0xFFFFF000  }
0x163: {  	_ =	swait.ge [sflag:s29], $0x1000  }
0x164: {  	[sflag:s29] =	ssyncset.done $0x0  }
0x165: {  	[sflag:s29] =	ssyncadd.s32 $0xFFFFF000  }
0x166: {  	_ =	swait.ge [sflag:s29], $0x1000  }
0x167: {  	[sflag:s29] =	ssyncset.done $0x0  }
0x168: {  	[sflag:s29] =	ssyncadd.s32 $0xFFFFF000  }
0x169: {  	_ =	swait.ge [sflag:s29], $0x1000  }
0x16a: {  	s19 =	rddreg [dreg:$0x4];
	[sflag:s29] =	ssyncset.done $0x0  }
0x16b: {  	s1 =	sadd.s32 $0x1, s1;
	[sflag:s29] =	ssyncadd.s32 $0xFFFFF000;
	s20 =	sadd.s32 s0, s19  }
0x16c: {  	[hbm4b:s20+s2] =	stream.linear.scatter [tilespmem:s26], [sflag:$0x4], $0xA000, $0x38;
	[tilespmem:$0x1A400] =	vst v63  }
0x16d: {  	p0 =	sne.s32 s1, s5;
	_ =	swait.ge [sflag:s30], $0xA000  }
.Ltmp1:
0x16e: {  	[sflag:s30] =	ssyncset.done $0x0;
	(pc) =	sbr.rel @p0 .LBB2_1-.Ltmp1, $4  }
0x16f: {  	[sflag:s30] =	ssyncadd.s32 $0xFFFF6000  }
0x170: {  	_ =	swait.ge [sflag:s31], $0xA000  }
0x171: {  	[sflag:s31] =	ssyncset.done $0x0  }
0x172: {  	[sflag:s31] =	ssyncadd.s32 $0xFFFF6000  }
0x173: {  	_ =	sfence.sel $0x180000  }
0x174: {  	[bflag:$0x0] =	sbarrier.arrive $0xFFFF  }
0x175: {  	_ =	strace $0x90000047  }
0x176: {  	s0 =	stileid.u32;
	[bflag:$0x2] =	sbarrier.arrive $0xFFFF  }
0x177: {  	p0 =	sne.s32 s0, $0x0;
	s0 =	rddreg [dreg:$0x2]  }
0x178: {  	s0 =	sadd.s32 @!p0 $0x100000, s0  }
0x179: {  	[sflag:s0] =	ssyncadd.tile.s32 @!p0 $0x1;
	_ =	shalt  }
.Lfunc_end2:
_tile_overlayer_lowered:
.L_overlay_start_2:
0x17a: {  	(tag) =	ssettag $0x2  }
0x17b: {  	s0 =	rddreg [dreg:$0x0];
	s2 =	stileid.u32  }
0x17c: {  	s1 =	rddreg [dreg:$0x1];
	p0 =	sne.s32 s2, $0x0  }
0x17d: {  	s3 =	rddreg [dreg:$0x2];
	[bflag:$0x3] =	sbarrier.arrive $0xFFFF;
	s2 =	simm.s32 @!p0 $0x1C05  }
0x17e: {  	[timem:s3], [sflag:s2] =	dma.local @!p0 [hbm:s0], s1  }
0x17f: {  	s0 =	simm.s32 @!p0 $0x5  }
0x180: {  	_ =	swait.ge @!p0 [sflag:s0], s1  }
0x181: {  	s1 =	ssub.s32 @!p0 $0x0, s1;
	[sflag:s0] =	ssyncset.done @!p0 $0x0  }
0x182: {  	[sflag:s0] =	ssyncadd.s32 @!p0 s1  }
0x183: {  	[bflag:$0x3] =	sbarrier.arrive $0xFFFF  }
0x184: {  	_ =	shalt  }

// kernel: sparse-core-data-format-call.cloned.1.call-start
scs
called_computation_lowered:
.L_overlay_start_0:
0x0: {  	s2 =	sld [smem:$0x3FD9]  }
0x1: {  	s3 =	sld [smem:$0x3FFE];
	_ =	sdelay $0x1  }
0x2: {  	s1 =	srdreg.scid  }
0x3: {  	s0 =	sand.u32 $0x1, s1  }
0x4: {  	s18 =	sshll.u32 s0, $0xA;
	s2 =	sadd.s32 s3, s2  }
0x5: {  	s2 =	sadd.s32 s2, s18  }
0x6: {  	[smem:$0x3FC6] =	sst s2  }
0x7: {  	_ = 	snop  }
0x8: {  	s2 =	sld [smem:$0x3FD0];
	(tm) =	ssettm $0x1  }
0x9: {  	s19 =	sld [smem:$0x3FFB];
	_ =	sdelay $0x3  }
0xa: {  	_ =	strace s19  }
0xb: {  	s3 =	sld [smem:$0x3FFC];
	_ =	sdelay $0x3  }
0xc: {  	_ =	strace s3  }
0xd: {  	s3 =	sld [smem:$0x3FFD];
	_ =	sdelay $0x3  }
0xe: {  	_ =	strace s3  }
0xf: {  	_ =	strace $0x8FFFFFFF  }
0x10: {  	s20 =	sld [smem:$0x3FDB];
	_ =	sdelay $0x1  }
0x11: {  	s4 =	simm.s32 $_scs_section_size  }
0x12: {  	s5 =	simm.s32 $_size__tile_overlayer_lowered;
	s6 =	simm.s32 $_tile_overlayer_lowered  }
0x13: {  	s23 =	simm.s32 $0x1BFF;
	s22 =	sshll.u32 s6, $0x1;
	s3 =	sadd.s32 s4, s20  }
0x14: {  	s7 =	simm.s32 $0x0;
	s21 =	sshll.u32 s5, $0x1;
	s5 =	sadd.s32 s22, s3  }
0x15: {  	[timem:s7], [sflag:s23] =	dma.local [hbm:s5], s21  }
0x16: {  	_ =	swait.ge [sflag:s23], s21  }
0x17: {  	s4 =	ssub.s32 $0x0, s21;
	[sflag:s23] =	ssyncset.done $0x0  }
0x18: {  	[sflag:s23] =	ssyncadd.s32 s4;
	_ =	sdelay $0x1  }
0x19: {  	s24 =	simm.s32 $0x1B8B  }
0x1a: {  	_ =	swait.ge [sflag:s24], $0x1  }
0x1b: {  	[sflag:s24] =	ssyncset.done $0x0  }
0x1c: {  	s26 =	simm.s32 $0x1B8E;
	s25 =	sld [smem:$0x3FFE];
	[sflag:s24] =	ssyncadd.s32 $0xFFFFFFFF  }
0x1d: {  	s27 =	simm.s32 $execute0_lowered;
	[smem:$0x3FD2] =	sst s26  }
0x1e: {  	s5 =	sshll.u32 s27, $0x1;
	_ =	strace $0x80000049;
	[dreg:$0x1] =	wrdreg $0xFFFFFFFF  }
0x1f: {  	s28 =	simm.s32 $_size_execute0_lowered;
	s3 =	sadd.s32 s3, s5;
	[dreg:$0x0] =	wrdreg $0x0  }
0x20: {  	s5 =	sshll.u32 s28, $0x1;
	[dreg:$0x2] =	wrdreg s3  }
0x21: {  	[dreg:$0x3] =	wrdreg s5  }
0x22: {  	[dreg:$0x4] =	wrdreg $0xC0  }
0x23: {  	_ =	task [dreg:s7], $0x5FFFF  }
0x24: {  	[dreg:$0x1] =	wrdreg $0xFFFFFFFF  }
0x25: {  	[dreg:$0x0] =	wrdreg $0x60  }
0x26: {  	[dreg:$0x2] =	wrdreg s25  }
0x27: {  	[dreg:$0x3] =	wrdreg s2  }
0x28: {  	[dreg:$0x4] =	wrdreg $0x9  }
0x29: {  	_ =	task.clear_ibuf [dreg:s7], $0x5FFFF;
	_ =	strace $0x90000049  }
0x2a: {  	s29 =	simm.s32 $0x9;
	_ =	strace $0x8000004B  }
0x2b: {  	_ =	swait.ge [sflag:s29], $0x1  }
0x2c: {  	[sflag:s29] =	ssyncadd.s32 $0xFFFFFFFF  }
0x2d: {  	_ =	strace $0x9000004B  }
0x2e: {  	_ =	sfence  }
0x2f: {  	s30 =	sld [smem:$0x0];
	_ =	sdelay $0x2  }
0x30: {  	s31 =	sshll.u32 s1, $0xD;
	s1 =	sshrl.u32 s1, $0x2  }
0x31: {  	s3 =	sand.u32 $0x4000, s31;
	s1 =	sadd.s32 s1, s30  }
0x32: {  	s0 =	sor.u32 s3, s0;
	s1 =	sshll.u32 s1, $0x11  }
0x33: {  	s0 =	sor.u32 s1, s0  }
0x34: {  	s0 =	sadd.s32 $0x8F2B, s0  }
0x35: {  	[sflag:s0] =	ssyncadd.remote.s32 $0x1  }
0x36: {  	_ =	sfence.sel $0xFFFF  }
0x37: {  	[dreg:$0x0] =	wrdreg $0xFFFFFFFF;
	(pc) =	sbr.abs _section_cstart, $3  }
0x38: {  	[dreg:$0x1] =	wrdreg $0xFFFFFFFF  }
0x39: {  	_ =	task.clear_ibuf [dreg:s7], $0x2FFFF;
	_ =	strace $0x9FFFFFFF  }
0x3a: {  	(tm) =	ssettm $0x7FFFFFFF  }
0x3b: {  	_ =	shalt  }
tec
execute0_lowered:
.L_overlay_start_1:
0x0: {  	(tag) =	ssettag $0x1  }
0x1: {  	s0 =	srdreg.scid  }
0x2: {  	s1 =	sshll.u32 s0, $0x4  }
0x3: {  	s0 =	stileid.u32;
	s1 =	sand.u32 $0x10, s1  }
0x4: {  	s7 =	rddreg [dreg:$0x0];
	s1 =	sor.u32 s0, s1  }
0x5: {  	s4 =	simm.s32 $0x1;
	s8 =	simm.s32 $0x2;
	s2 =	sshll.u32 s1, $0x7  }
0x6: {  	s13 =	simm.s32 $0x0;
	s9 =	simm.s32 $0x20000;
	s1 =	ssub.s32 $0x4000, s2  }
0x7: {  	s14 =	simm.s32 $0x0;
	s11 =	simm.s32 $0x0;
	s3 =	sand.u32 $0xF80, s1  }
0x8: {  	s12 =	simm.s32 $0x0;
	s5 =	sshrl.u32 s1, $0xC;
	p0 =	sne.s32 s3, $0x0  }
.Ltmp0:
0x9: {  	s1 =	rddreg [dreg:$0x2];
	s4 =	simm.s32 @!p0 $0x0;
	(pc) =	sbr.rel .LBB1_1-.Ltmp0, $4  }
0xa: {  	s6 =	sadd.s32 $0xA00, s7;
	s3 =	rddreg [dreg:$0x1];
	s5 =	sadd.s32 s4, s5  }
0xb: {  	_ =	strace $0x8000004A;
	s4 =	simm.s32 $0x1;
	s5 =	smul.u32 $0x19, s5  }
0xc: {  	s7 =	sadd.s32 $0x40A00, s7;
	s10 =	smov.u32 s2;
	[sflag:s4] =	ssyncpa.u1 $0x0  }
0xd: {  	p0 =	por $0x0, $0x0;
	[sflag:s8] =	ssyncpa.u1 $0x0;
	s8 =	sadd.s32 $0x1, s5  }
.LBB1_7:
0xe: {  	s15 =	sadd.s32 $0x1000, s10  }
0xf: {  	s13 =	sadd.s32 $0x2, s11;
	s17 =	smov.u32 s11;
	p2 =	sgt.s32 s15, $0x3FFF  }
0x10: {  	s17 =	smov.u32 @p2 s13  }
0x11: {  	s15 =	smov.u32 @p2 s2;
	p2 =	sgt.s32 s17, $0x31  }
0x12: {  	s17 =	simm.s32 @p2 $0x0;
	p2 =	sne.s32 s12, s8  }
.Ltmp1:
0x13: {  	p1 =	slt.u32 s12, $0x2;
	(pc) =	sbr.rel @!p2 .LBB1_8-.Ltmp1, $4  }
0x14: {  	s16 =	simm.s32 @!p1 $0x2  }
0x15: {  	s14 =	smov.u32 s11;
	p0 =	por !p0, !p0;
	_ =	swait.ge @!p1 [sflag:s16], $0x2000  }
0x16: {  	s13 =	smov.u32 s10;
	[sflag:s16] =	ssyncset.done @!p1 $0x0;
	s10 =	smov.u32 s15  }
0x17: {  	s12 =	sadd.s32 $0x1, s12;
	[sflag:s16] =	ssyncadd.s32 @!p1 $0xFFFFE000;
	s11 =	smov.u32 s17  }
.LBB1_1:
0x18: {  	p1 =	sge.u32 s12, s5  }
0x19: {  	s15 =	sxor.u32 @!p1 $0xFFFFFFFF, s12;
	s16 =	sshll.u32 @!p1 s11, $0x12  }
0x1a: {  	s17 =	sshll.u32 @!p1 s10, $0x4;
	s19 =	simm.s32 @!p1 $0x20;
	s20 =	simm.s32 @!p1 $0x80  }
0x1b: {  	s15 =	sshll.u32 @!p1 s15, $0xD;
	s17 =	sand.u32 @!p1 $0x3FFF0, s17;
	s18 =	sadd.s32 @!p1 s6, s16  }
0x1c: {  	s16 =	sadd.s32 @!p1 s16, s7;
	s15 =	sand.u32 @!p1 $0x2000, s15;
	s18 =	sadd.s32 @!p1 s17, s18  }
0x1d: {  	[tilespmem:s15], [sflag:$0x1] =	stream.strided.gather @!p1 [hbm4b:s18+s19], $0x1000, s20, s19, $0x38;
	[tilespmem:$0x8080] =	vst v63  }
0x1e: {  	s31 =	sadd.s32 $0xFFFFFFFF, s12;
	s16 =	sadd.s32 @!p1 s17, s16;
	s15 =	sor.u32 @!p1 $0x1000, s15  }
0x1f: {  	[tilespmem:s15], [sflag:$0x1] =	stream.strided.gather @!p1 [hbm4b:s16+s19], $0x1000, s20, s19, $0x38;
	[tilespmem:$0x8080] =	vst v63  }
0x20: {  	p1 =	sge.u32 s31, s5  }
.Ltmp2:
0x21: {  	_ = 	snop;
	(pc) =	sbr.rel @p1 .LBB1_7-.Ltmp2, $1  }
0x22: {  	_ =	sdelay $0x3  }
0x23: {  	s15 =	simm.s32 $0x1;
	s17 =	sand.u32 $0x1, s12  }
0x24: {  	_ =	swait.ge [sflag:s4], $0x2000;
	s15 =	simm.s32 @!p0 $0x0;
	s17 =	smul.u32 $0x8100, s17  }
0x25: {  	p2 =	por $0x1, $0x1;
	[sflag:s4] =	ssyncset.done $0x0;
	s16 =	smul.u32 $0x8100, s15  }
0x26: {  	s18 =	sshll.u32 s15, $0xF;
	[sflag:s4] =	ssyncadd.s32 $0xFFFFE000;
	s30 =	sshrl.u32 s17, $0x2  }
0x27: {  	s31 =	sshrl.u32 s18, $0x2;
	s18 =	simm.s32 $0x0;
	s16 =	sshrl.u32 s16, $0x2  }
0x28: {  	s15 =	sor.u32 $0x4000, s30;
	s17 =	sadd.s32 $0x10, s31;
	s16 =	sor.u32 $0x4000, s16  }
.LBB1_3:
0x29: {  	s19 =	sshll.u32 s18, $0xC  }
0x2a: {  	s19 =	sand.u32 $0x3FFFF000, s19  }
0x2b: {  	s20 =	sadd.s32 s19, s17  }
0x2c: {  	s31 =	smul.u32 $0x4080, s18;
	v1 =	vld [tilespmem:s20+$0x0]  }
0x2d: {  	v0 =	vld [tilespmem:s20+$0xFFFFFFF0]  }
0x2e: {  	s18 =	sshra.s32 s31, $0x2  }
0x2f: {  	s18 =	sadd.s32 s18, s16  }
0x30: {  	s21 =	sadd.s32 $0x0, s18  }
0x31: {  	p1 =	por p2, p2;
	s19 =	simm.s32 $0x4;
	s20 =	sadd.s32 $0x20, s20;
	[tilespmem:s21+$0x810 ss:$0x81] =	vst.msk $0xffff, v1  }
.LBB1_4:
0x32: {  	v1 =	vld [tilespmem:s20+$0x0];
	p2 =	sne.s32 s19, $0x1FC;
	[tilespmem:s21+$0x0 ss:$0x81] =	vst.msk $0xffff, v0;
	s21 =	smov.u32 s19;
	s19 =	sadd.s32 $0x4, s19  }
.Ltmp3:
0x33: {  	v0 =	vld [tilespmem:s20+$0xFFFFFFF0];
	(pc) =	sbr.rel @p2 .LBB1_4-.Ltmp3, $4  }
0x34: {  	_ = 	snop  }
0x35: {  	s21 =	sshra.s32 s21, $0x2  }
0x36: {  	s21 =	sadd.s32 s21, s18  }
0x37: {  	s20 =	sadd.s32 $0x20, s20;
	[tilespmem:s21+$0x810 ss:$0x81] =	vst.msk $0xffff, v1  }
.Ltmp4:
0x38: {  	(pc) =	sbr.rel @p1 .LBB1_3-.Ltmp4, $2  }
0x39: {  	_ =	sdelay $0x2  }
0x3a: {  	[tilespmem:s21+$0x0 ss:$0x81] =	vst.msk $0xffff, v0;
	s18 =	simm.s32 $0x1;
	p2 =	por $0x0, $0x0  }
0x3b: {  	s16 =	sshll.u32 s13, $0x3;
	s17 =	sand.u32 $0x78, s13;
	s14 =	sshll.u32 s14, $0x10  }
.Ltmp5:
0x3c: {  	s30 =	sand.u32 $0xF800, s13;
	s16 =	sand.u32 $0x3C00, s16;
	(pc) =	sbr.rel .LBB1_7-.Ltmp5, $4  }
0x3d: {  	s31 =	sand.u32 $0x7, s13;
	s14 =	sadd.s32 s3, s14;
	s16 =	sor.u32 s17, s16  }
0x3e: {  	s13 =	sshll.u32 s31, $0x12;
	s14 =	sadd.s32 s30, s14;
	s16 =	sshrl.u32 s16, $0x3  }
0x3f: {  	s13 =	sor.u32 $0x400, s13;
	s14 =	sadd.s32 s16, s14  }
0x40: {  	[hbm4b:s14+s13] =	stream.strided.scatter [tilespmem:s15], [sflag:$0x2], $0x2000, s9, s13, $0x20;
	[tilespmem:$0x8080] =	vst v63  }
.LBB1_8:
0x41: {  	_ =	sfence.sel $0x180000  }
0x42: {  	s2 =	simm.s32 $0x1;
	[bflag:$0x0] =	sbarrier.arrive $0xFFFF  }
0x43: {  	s31 =	simm.s32 $0x2;
	[sflag:s2] =	ssyncpa.u1 $0x1  }
0x44: {  	[sflag:s31] =	ssyncpa.u1 $0x1  }
0x45: {  	p0 =	sne.s32 s0, $0x0;
	_ =	strace $0x9000004A  }
0x46: {  	s0 =	sadd.s32 @!p0 $0x100000, s1;
	[bflag:$0x2] =	sbarrier.arrive $0xFFFF  }
0x47: {  	[sflag:s0] =	ssyncadd.tile.s32 @!p0 $0x1;
	_ =	shalt  }
.Lfunc_end1:
_tile_overlayer_lowered:
.L_overlay_start_2:
0x48: {  	(tag) =	ssettag $0x2  }
0x49: {  	s0 =	rddreg [dreg:$0x0];
	s2 =	stileid.u32  }
0x4a: {  	s1 =	rddreg [dreg:$0x1];
	p0 =	sne.s32 s2, $0x0  }
0x4b: {  	s3 =	rddreg [dreg:$0x2];
	[bflag:$0x3] =	sbarrier.arrive $0xFFFF;
	s2 =	simm.s32 @!p0 $0x1C01  }
0x4c: {  	[timem:s3], [sflag:s2] =	dma.local @!p0 [hbm:s0], s1  }
0x4d: {  	s0 =	simm.s32 @!p0 $0x1  }
0x4e: {  	_ =	swait.ge @!p0 [sflag:s0], s1  }
0x4f: {  	s1 =	ssub.s32 @!p0 $0x0, s1;
	[sflag:s0] =	ssyncset.done @!p0 $0x0  }
0x50: {  	[sflag:s0] =	ssyncadd.s32 @!p0 s1  }
0x51: {  	[bflag:$0x3] =	sbarrier.arrive $0xFFFF  }
0x52: {  	_ =	shalt  }

</sc_bundles>
